<compile_context>
chip_gen: v7x
topology: tpu7x:2x2x1
jax: 0.10.2.dev20260603
libtpu: 0.0.44.dev20260713+nightly
codegen_flags: <defaults>
</compile_context>

<pallas_src>
import functools

import jax
import jax.numpy as jnp
from jax import lax
from jax.experimental import pallas as pl
from jax.experimental.pallas import tpu as pltpu
from jax.experimental.pallas import tpu_sc as plsc

B = 16384
F = 26
V = 1000
D = 50
DP = 56
N = B * F
SPLIT = 1
NSPL = N // SPLIT

NC = 2
NS = 16
NW = NC * NS
NPW = NSPL // NW
STREAM = 104
NSTREAM = 4
SC_CHUNK = NSTREAM * STREAM
NG = NPW // SC_CHUNK


def _body(idx_hbm, tab_hbm, out_hbm, idx_v, rows0, rows1, sem0, sem1):
    wid = lax.axis_index("s") * NC + lax.axis_index("c")
    base = wid * NPW

    pltpu.sync_copy(idx_hbm.at[pl.ds(base, NPW)], idx_v)

    def copies(g, rows, sem):
        s0 = pl.multiple_of(g * SC_CHUNK, SC_CHUNK)
        return [
            pltpu.make_async_copy(
                tab_hbm.at[idx_v.at[pl.ds(s0 + j * STREAM, STREAM)]],
                rows.at[pl.ds(j * STREAM, STREAM)], sem)
            for j in range(NSTREAM)
        ]

    def fire(g, rows, sem):
        for cp in copies(g, rows, sem):
            cp.start()

    def drain(g, rows, sem):
        for cp in copies(g, rows, sem):
            cp.wait()

    def store(g, rows):
        s0 = pl.multiple_of(g * SC_CHUNK, SC_CHUNK)
        pltpu.sync_copy(rows, out_hbm.at[pl.ds(base + s0, SC_CHUNK)])

    fire(0, rows0, sem0)

    def g_body(k, carry):
        g0 = pl.multiple_of(2 * k, 2)
        fire(g0 + 1, rows1, sem1)
        drain(g0, rows0, sem0)
        store(g0, rows0)

        @pl.when(g0 + 2 < NG)
        def _():
            fire(g0 + 2, rows0, sem0)

        drain(g0 + 1, rows1, sem1)
        store(g0 + 1, rows1)
        return carry

    lax.fori_loop(0, NG // 2, g_body, 0)


@functools.partial(
    pl.kernel,
    out_type=jax.ShapeDtypeStruct((NSPL, DP), jnp.float32),
    mesh=plsc.VectorSubcoreMesh(core_axis_name="c", subcore_axis_name="s"),
    compiler_params=pltpu.CompilerParams(use_tc_tiling_on_sc=False),
    scratch_types=[
        pltpu.VMEM((NPW,), jnp.int32),
        pltpu.VMEM((SC_CHUNK, DP), jnp.float32),
        pltpu.VMEM((SC_CHUNK, DP), jnp.float32),
        pltpu.SemaphoreType.DMA,
        pltpu.SemaphoreType.DMA,
    ],
)
def _gather_kernel(idx_hbm, tab_hbm, out_hbm, idx_v, rows0, rows1, sem0, sem1):
    _body(idx_hbm, tab_hbm, out_hbm, idx_v, rows0, rows1, sem0, sem1)


def kernel(indices, tables):
    idx_flat = (indices.astype(jnp.int32).reshape(N)
                + (jnp.arange(N, dtype=jnp.int32) % F) * V)
    tab_pad = jnp.pad(tables, ((0, 0), (0, 0), (0, DP - D))).reshape(F * V, DP)
    halves = [
        _gather_kernel(
            jax.lax.slice(idx_flat, (h * NSPL,), ((h + 1) * NSPL,)), tab_pad
        ).reshape(B // SPLIT, F * DP)
        for h in range(SPLIT)
    ]
    out2 = jnp.concatenate(halves, axis=0)
    cols = (jnp.arange(F * D, dtype=jnp.int32) // D) * DP + (
        jnp.arange(F * D, dtype=jnp.int32) % D)
    return jnp.take(out2.T, cols, axis=0, mode="clip").T

# --- scband reference (transcript-rebuilt; emitter-appended) ---
"""Pipeline reference for scband-embeddings-48060684042643 (READ-ONLY COPY).

The authoritative reference and input builder live on the scoring server;
editing this copy changes nothing except your own understanding.
"""

import jax, jax.numpy as jnp
import numpy as np

B = 16384   # batch of examples
F = 26      # number of categorical sparse fields
V = 1000    # cardinality per field (card in the torch module)
D = 50      # emb_sz = min(50, (card + 1) // 2) -> 50 for card=1000


def setup_inputs(seed: int = 0) -> dict:
    key = jax.random.key(seed)
    k_tab, k_idx = jax.random.split(key)
    # One embedding table per categorical field, initialized uniform(0, 0.05)
    # exactly like e.weight.data.uniform_(0, 0.05) in the torch module.
    tables = jax.random.uniform(k_tab, (F, V, D), dtype=jnp.float32, minval=0.0, maxval=0.05)
    # Indices (NOT one-hot), one column per field, in-range [0, V).
    indices = jax.random.randint(k_idx, (B, F), 0, V, dtype=jnp.int64 if jax.config.jax_enable_x64 else jnp.int32)
    return {"indices": indices, "tables": tables}


def reference(indices, tables):
    # Per-field embedding lookup (gather) followed by feature concatenation.
    # tables[f][indices[:, f]] is the jnp equivalent of nn.Embedding(card, emb_sz)(idx).
    outs = [jnp.take(tables[f], indices[:, f], axis=0) for f in range(tables.shape[0])]
    return jnp.concatenate(outs, axis=-1)  # [B, F * D]

if __name__ == "__main__":
    import jax
    _d = setup_inputs()
    print(jax.jit(kernel)(*tuple(_d.values())))

</pallas_src>

<mosaic_0001>
#map = affine_map<(d0, d1) -> (0)>
#map1 = affine_map<(d0, d1) -> (0, 0)>
module attributes {stable_mosaic.version = 14 : i64} {
  func.func @_gather_kernel(%arg0: i32, %arg1: i32, %arg2: memref<425984xi32, #tpu.memory_space<hbm>>, %arg3: memref<26000x56xf32, #tpu.memory_space<hbm>>, %arg4: memref<425984x56xf32, #tpu.memory_space<hbm>>, %arg5: memref<13312xi32, #tpu.memory_space<vmem>>, %arg6: memref<416x56xf32, #tpu.memory_space<vmem>>, %arg7: memref<416x56xf32, #tpu.memory_space<vmem>>, %arg8: memref<!tpu.dma_semaphore, #tpu.memory_space<semaphore_mem>>, %arg9: memref<!tpu.dma_semaphore, #tpu.memory_space<semaphore_mem>>) attributes {dimension_semantics = [#tpu.dimension_semantics<core_parallel>, #tpu.dimension_semantics<subcore_parallel>], iteration_bounds = array<i64: 2, 16>, scalar_prefetch = 0 : i64, scratch_operands = 5 : i64, tpu.core_type = #tpu.core_type<sc_vector_subcore>, window_params = [{transform_indices = #map}, {transform_indices = #map1}, {transform_indices = #map1}]} {
    %mul3A = arith.constant 2 : i32
    %mul3A_0 = arith.muli %arg1, %mul3A : i32
    %add3A = arith.addi %mul3A_0, %arg0 : i32
    %mul3A_1 = arith.constant 13312 : i32
    %mul3A_2 = arith.muli %add3A, %mul3A_1 : i32
    "tpu.region"() ({
      %run_scoped3A = tpu.sem_alloc : memref<!tpu.dma_semaphore, #tpu.memory_space<semaphore_mem>>
      %dma_start3A_44 = tpu.memref_slice %arg2[%mul3A_2] : memref<425984xi32, #tpu.memory_space<hbm>> -> memref<13312xi32, #tpu.memory_space<hbm>>
      %dma_start3A_45 = tpu.memref_slice %arg2[%mul3A_2] : memref<425984xi32, #tpu.memory_space<hbm>> -> memref<13312xi32, #tpu.memory_space<hbm>>
      tpu.enqueue_dma source(%dma_start3A_45 : memref<13312xi32, #tpu.memory_space<hbm>>) target(%arg5 : memref<13312xi32, #tpu.memory_space<vmem>>) target_semaphore(%run_scoped3A : memref<!tpu.dma_semaphore, #tpu.memory_space<semaphore_mem>>)
      %dma_wait3A = tpu.memref_slice %arg2[%mul3A_2] : memref<425984xi32, #tpu.memory_space<hbm>> -> memref<13312xi32, #tpu.memory_space<hbm>>
      %dma_wait3A_46 = tpu.memref_slice %arg2[%mul3A_2] : memref<425984xi32, #tpu.memory_space<hbm>> -> memref<13312xi32, #tpu.memory_space<hbm>>
      tpu.wait_dma2 semaphore(%run_scoped3A : memref<!tpu.dma_semaphore, #tpu.memory_space<semaphore_mem>>) src(%dma_wait3A_46 : memref<13312xi32, #tpu.memory_space<hbm>>) dst(%arg5 : memref<13312xi32, #tpu.memory_space<vmem>>)
      tpu.yield
    }) : () -> ()
    %multiple_of3A = arith.constant 0 : i32
    %multiple_of3A_3 = tpu.assume_multiple %multiple_of3A, 416 : i32
    %add3A_4 = arith.constant 0 : i32
    %add3A_5 = arith.addi %multiple_of3A_3, %add3A_4 : i32
    %add3A_6 = arith.constant 104 : i32
    %add3A_7 = arith.addi %multiple_of3A_3, %add3A_6 : i32
    %add3A_8 = arith.constant 208 : i32
    %add3A_9 = arith.addi %multiple_of3A_3, %add3A_8 : i32
    %add3A_10 = arith.constant 312 : i32
    %add3A_11 = arith.addi %multiple_of3A_3, %add3A_10 : i32
    %dma_start3A = arith.constant 0 : i32
    %dma_start3A_12 = arith.constant 0 : i32
    %dma_start3A_13 = tpu.memref_slice %arg6[%dma_start3A, %dma_start3A_12] : memref<416x56xf32, #tpu.memory_space<vmem>> -> memref<104x56xf32, #tpu.memory_space<vmem>>
    %dma_start3A_14 = tpu.memref_slice %arg5[%add3A_5] : memref<13312xi32, #tpu.memory_space<vmem>> -> memref<104xi32, #tpu.memory_space<vmem>>
    %dma_start3A_15 = arith.constant 0 : i32
    %dma_start3A_16 = arith.constant 0 : i32
    %dma_start3A_17 = tpu.memref_slice %arg3[%dma_start3A_15, %dma_start3A_16] : memref<26000x56xf32, #tpu.memory_space<hbm>> -> memref<26000x56xf32, #tpu.memory_space<hbm>>
    tpu.enqueue_indirect_dma source(%dma_start3A_17 : memref<26000x56xf32, #tpu.memory_space<hbm>>) target(%dma_start3A_13 : memref<104x56xf32, #tpu.memory_space<vmem>>) offsets(%dma_start3A_14 : memref<104xi32, #tpu.memory_space<vmem>>) semaphore(%arg8 : memref<!tpu.dma_semaphore, #tpu.memory_space<semaphore_mem>>)
    %dma_start3A_18 = arith.constant 104 : i32
    %dma_start3A_19 = arith.constant 0 : i32
    %dma_start3A_20 = tpu.memref_slice %arg6[%dma_start3A_18, %dma_start3A_19] : memref<416x56xf32, #tpu.memory_space<vmem>> -> memref<104x56xf32, #tpu.memory_space<vmem>>
    %dma_start3A_21 = tpu.memref_slice %arg5[%add3A_7] : memref<13312xi32, #tpu.memory_space<vmem>> -> memref<104xi32, #tpu.memory_space<vmem>>
    %dma_start3A_22 = arith.constant 0 : i32
    %dma_start3A_23 = arith.constant 0 : i32
    %dma_start3A_24 = tpu.memref_slice %arg3[%dma_start3A_22, %dma_start3A_23] : memref<26000x56xf32, #tpu.memory_space<hbm>> -> memref<26000x56xf32, #tpu.memory_space<hbm>>
    tpu.enqueue_indirect_dma source(%dma_start3A_24 : memref<26000x56xf32, #tpu.memory_space<hbm>>) target(%dma_start3A_20 : memref<104x56xf32, #tpu.memory_space<vmem>>) offsets(%dma_start3A_21 : memref<104xi32, #tpu.memory_space<vmem>>) semaphore(%arg8 : memref<!tpu.dma_semaphore, #tpu.memory_space<semaphore_mem>>)
    %dma_start3A_25 = arith.constant 208 : i32
    %dma_start3A_26 = arith.constant 0 : i32
    %dma_start3A_27 = tpu.memref_slice %arg6[%dma_start3A_25, %dma_start3A_26] : memref<416x56xf32, #tpu.memory_space<vmem>> -> memref<104x56xf32, #tpu.memory_space<vmem>>
    %dma_start3A_28 = tpu.memref_slice %arg5[%add3A_9] : memref<13312xi32, #tpu.memory_space<vmem>> -> memref<104xi32, #tpu.memory_space<vmem>>
    %dma_start3A_29 = arith.constant 0 : i32
    %dma_start3A_30 = arith.constant 0 : i32
    %dma_start3A_31 = tpu.memref_slice %arg3[%dma_start3A_29, %dma_start3A_30] : memref<26000x56xf32, #tpu.memory_space<hbm>> -> memref<26000x56xf32, #tpu.memory_space<hbm>>
    tpu.enqueue_indirect_dma source(%dma_start3A_31 : memref<26000x56xf32, #tpu.memory_space<hbm>>) target(%dma_start3A_27 : memref<104x56xf32, #tpu.memory_space<vmem>>) offsets(%dma_start3A_28 : memref<104xi32, #tpu.memory_space<vmem>>) semaphore(%arg8 : memref<!tpu.dma_semaphore, #tpu.memory_space<semaphore_mem>>)
    %dma_start3A_32 = arith.constant 312 : i32
    %dma_start3A_33 = arith.constant 0 : i32
    %dma_start3A_34 = tpu.memref_slice %arg6[%dma_start3A_32, %dma_start3A_33] : memref<416x56xf32, #tpu.memory_space<vmem>> -> memref<104x56xf32, #tpu.memory_space<vmem>>
    %dma_start3A_35 = tpu.memref_slice %arg5[%add3A_11] : memref<13312xi32, #tpu.memory_space<vmem>> -> memref<104xi32, #tpu.memory_space<vmem>>
    %dma_start3A_36 = arith.constant 0 : i32
    %dma_start3A_37 = arith.constant 0 : i32
    %dma_start3A_38 = tpu.memref_slice %arg3[%dma_start3A_36, %dma_start3A_37] : memref<26000x56xf32, #tpu.memory_space<hbm>> -> memref<26000x56xf32, #tpu.memory_space<hbm>>
    tpu.enqueue_indirect_dma source(%dma_start3A_38 : memref<26000x56xf32, #tpu.memory_space<hbm>>) target(%dma_start3A_34 : memref<104x56xf32, #tpu.memory_space<vmem>>) offsets(%dma_start3A_35 : memref<104xi32, #tpu.memory_space<vmem>>) semaphore(%arg8 : memref<!tpu.dma_semaphore, #tpu.memory_space<semaphore_mem>>)
    %scan3A = arith.constant 0 : i32
    %scan3A_39 = arith.constant 0 : i32
    %scan3A_40 = arith.constant 16 : i32
    %scan3A_41 = arith.addi %scan3A_39, %scan3A_40 : i32
    %scan3A_42 = arith.constant 1 : i32
    scf.for %scan3A_44 = %scan3A_39 to %scan3A_41 step %scan3A_42  : i32 {
      %mul3A_45 = arith.constant 2 : i32
      %mul3A_46 = arith.muli %mul3A_45, %scan3A_44 : i32
      %multiple_of3A_47 = tpu.assume_multiple %mul3A_46, 2 : i32
      %add3A_48 = arith.constant 1 : i32
      %add3A_49 = arith.addi %multiple_of3A_47, %add3A_48 : i32
      %mul3A_50 = arith.constant 416 : i32
      %mul3A_51 = arith.muli %add3A_49, %mul3A_50 : i32
      %multiple_of3A_52 = tpu.assume_multiple %mul3A_51, 416 : i32
      %add3A_53 = arith.constant 0 : i32
      %add3A_54 = arith.addi %multiple_of3A_52, %add3A_53 : i32
      %add3A_55 = arith.constant 104 : i32
      %add3A_56 = arith.addi %multiple_of3A_52, %add3A_55 : i32
      %add3A_57 = arith.constant 208 : i32
      %add3A_58 = arith.addi %multiple_of3A_52, %add3A_57 : i32
      %add3A_59 = arith.constant 312 : i32
      %add3A_60 = arith.addi %multiple_of3A_52, %add3A_59 : i32
      %dma_start3A_61 = arith.constant 0 : i32
      %dma_start3A_62 = arith.constant 0 : i32
      %dma_start3A_63 = tpu.memref_slice %arg7[%dma_start3A_61, %dma_start3A_62] : memref<416x56xf32, #tpu.memory_space<vmem>> -> memref<104x56xf32, #tpu.memory_space<vmem>>
      %dma_start3A_64 = tpu.memref_slice %arg5[%add3A_54] : memref<13312xi32, #tpu.memory_space<vmem>> -> memref<104xi32, #tpu.memory_space<vmem>>
      %dma_start3A_65 = arith.constant 0 : i32
      %dma_start3A_66 = arith.constant 0 : i32
      %dma_start3A_67 = tpu.memref_slice %arg3[%dma_start3A_65, %dma_start3A_66] : memref<26000x56xf32, #tpu.memory_space<hbm>> -> memref<26000x56xf32, #tpu.memory_space<hbm>>
      tpu.enqueue_indirect_dma source(%dma_start3A_67 : memref<26000x56xf32, #tpu.memory_space<hbm>>) target(%dma_start3A_63 : memref<104x56xf32, #tpu.memory_space<vmem>>) offsets(%dma_start3A_64 : memref<104xi32, #tpu.memory_space<vmem>>) semaphore(%arg9 : memref<!tpu.dma_semaphore, #tpu.memory_space<semaphore_mem>>)
      %dma_start3A_68 = arith.constant 104 : i32
      %dma_start3A_69 = arith.constant 0 : i32
      %dma_start3A_70 = tpu.memref_slice %arg7[%dma_start3A_68, %dma_start3A_69] : memref<416x56xf32, #tpu.memory_space<vmem>> -> memref<104x56xf32, #tpu.memory_space<vmem>>
      %dma_start3A_71 = tpu.memref_slice %arg5[%add3A_56] : memref<13312xi32, #tpu.memory_space<vmem>> -> memref<104xi32, #tpu.memory_space<vmem>>
      %dma_start3A_72 = arith.constant 0 : i32
      %dma_start3A_73 = arith.constant 0 : i32
      %dma_start3A_74 = tpu.memref_slice %arg3[%dma_start3A_72, %dma_start3A_73] : memref<26000x56xf32, #tpu.memory_space<hbm>> -> memref<26000x56xf32, #tpu.memory_space<hbm>>
      tpu.enqueue_indirect_dma source(%dma_start3A_74 : memref<26000x56xf32, #tpu.memory_space<hbm>>) target(%dma_start3A_70 : memref<104x56xf32, #tpu.memory_space<vmem>>) offsets(%dma_start3A_71 : memref<104xi32, #tpu.memory_space<vmem>>) semaphore(%arg9 : memref<!tpu.dma_semaphore, #tpu.memory_space<semaphore_mem>>)
      %dma_start3A_75 = arith.constant 208 : i32
      %dma_start3A_76 = arith.constant 0 : i32
      %dma_start3A_77 = tpu.memref_slice %arg7[%dma_start3A_75, %dma_start3A_76] : memref<416x56xf32, #tpu.memory_space<vmem>> -> memref<104x56xf32, #tpu.memory_space<vmem>>
      %dma_start3A_78 = tpu.memref_slice %arg5[%add3A_58] : memref<13312xi32, #tpu.memory_space<vmem>> -> memref<104xi32, #tpu.memory_space<vmem>>
      %dma_start3A_79 = arith.constant 0 : i32
      %dma_start3A_80 = arith.constant 0 : i32
      %dma_start3A_81 = tpu.memref_slice %arg3[%dma_start3A_79, %dma_start3A_80] : memref<26000x56xf32, #tpu.memory_space<hbm>> -> memref<26000x56xf32, #tpu.memory_space<hbm>>
      tpu.enqueue_indirect_dma source(%dma_start3A_81 : memref<26000x56xf32, #tpu.memory_space<hbm>>) target(%dma_start3A_77 : memref<104x56xf32, #tpu.memory_space<vmem>>) offsets(%dma_start3A_78 : memref<104xi32, #tpu.memory_space<vmem>>) semaphore(%arg9 : memref<!tpu.dma_semaphore, #tpu.memory_space<semaphore_mem>>)
      %dma_start3A_82 = arith.constant 312 : i32
      %dma_start3A_83 = arith.constant 0 : i32
      %dma_start3A_84 = tpu.memref_slice %arg7[%dma_start3A_82, %dma_start3A_83] : memref<416x56xf32, #tpu.memory_space<vmem>> -> memref<104x56xf32, #tpu.memory_space<vmem>>
      %dma_start3A_85 = tpu.memref_slice %arg5[%add3A_60] : memref<13312xi32, #tpu.memory_space<vmem>> -> memref<104xi32, #tpu.memory_space<vmem>>
      %dma_start3A_86 = arith.constant 0 : i32
      %dma_start3A_87 = arith.constant 0 : i32
      %dma_start3A_88 = tpu.memref_slice %arg3[%dma_start3A_86, %dma_start3A_87] : memref<26000x56xf32, #tpu.memory_space<hbm>> -> memref<26000x56xf32, #tpu.memory_space<hbm>>
      tpu.enqueue_indirect_dma source(%dma_start3A_88 : memref<26000x56xf32, #tpu.memory_space<hbm>>) target(%dma_start3A_84 : memref<104x56xf32, #tpu.memory_space<vmem>>) offsets(%dma_start3A_85 : memref<104xi32, #tpu.memory_space<vmem>>) semaphore(%arg9 : memref<!tpu.dma_semaphore, #tpu.memory_space<semaphore_mem>>)
      %mul3A_89 = arith.constant 416 : i32
      %mul3A_90 = arith.muli %multiple_of3A_47, %mul3A_89 : i32
      %multiple_of3A_91 = tpu.assume_multiple %mul3A_90, 416 : i32
      %add3A_92 = arith.constant 0 : i32
      %add3A_93 = arith.addi %multiple_of3A_91, %add3A_92 : i32
      %add3A_94 = arith.constant 104 : i32
      %add3A_95 = arith.addi %multiple_of3A_91, %add3A_94 : i32
      %add3A_96 = arith.constant 208 : i32
      %add3A_97 = arith.addi %multiple_of3A_91, %add3A_96 : i32
      %add3A_98 = arith.constant 312 : i32
      %add3A_99 = arith.addi %multiple_of3A_91, %add3A_98 : i32
      %dma_wait3A = arith.constant 0 : i32
      %dma_wait3A_100 = arith.constant 0 : i32
      %dma_wait3A_101 = tpu.memref_slice %arg6[%dma_wait3A, %dma_wait3A_100] : memref<416x56xf32, #tpu.memory_space<vmem>> -> memref<104x56xf32, #tpu.memory_space<vmem>>
      %dma_wait3A_102 = tpu.memref_slice %arg5[%add3A_93] : memref<13312xi32, #tpu.memory_space<vmem>> -> memref<104xi32, #tpu.memory_space<vmem>>
      %dma_wait3A_103 = arith.constant 0 : i32
      %dma_wait3A_104 = arith.constant 0 : i32
      %dma_wait3A_105 = tpu.memref_slice %arg3[%dma_wait3A_103, %dma_wait3A_104] : memref<26000x56xf32, #tpu.memory_space<hbm>> -> memref<26000x56xf32, #tpu.memory_space<hbm>>
      tpu.wait_indirect_dma semaphore(%arg8 : memref<!tpu.dma_semaphore, #tpu.memory_space<semaphore_mem>>) src(%dma_wait3A_105 : memref<26000x56xf32, #tpu.memory_space<hbm>>) dst(%dma_wait3A_101 : memref<104x56xf32, #tpu.memory_space<vmem>>)
      %dma_wait3A_106 = arith.constant 104 : i32
      %dma_wait3A_107 = arith.constant 0 : i32
      %dma_wait3A_108 = tpu.memref_slice %arg6[%dma_wait3A_106, %dma_wait3A_107] : memref<416x56xf32, #tpu.memory_space<vmem>> -> memref<104x56xf32, #tpu.memory_space<vmem>>
      %dma_wait3A_109 = tpu.memref_slice %arg5[%add3A_95] : memref<13312xi32, #tpu.memory_space<vmem>> -> memref<104xi32, #tpu.memory_space<vmem>>
      %dma_wait3A_110 = arith.constant 0 : i32
      %dma_wait3A_111 = arith.constant 0 : i32
      %dma_wait3A_112 = tpu.memref_slice %arg3[%dma_wait3A_110, %dma_wait3A_111] : memref<26000x56xf32, #tpu.memory_space<hbm>> -> memref<26000x56xf32, #tpu.memory_space<hbm>>
      tpu.wait_indirect_dma semaphore(%arg8 : memref<!tpu.dma_semaphore, #tpu.memory_space<semaphore_mem>>) src(%dma_wait3A_112 : memref<26000x56xf32, #tpu.memory_space<hbm>>) dst(%dma_wait3A_108 : memref<104x56xf32, #tpu.memory_space<vmem>>)
      %dma_wait3A_113 = arith.constant 208 : i32
      %dma_wait3A_114 = arith.constant 0 : i32
      %dma_wait3A_115 = tpu.memref_slice %arg6[%dma_wait3A_113, %dma_wait3A_114] : memref<416x56xf32, #tpu.memory_space<vmem>> -> memref<104x56xf32, #tpu.memory_space<vmem>>
      %dma_wait3A_116 = tpu.memref_slice %arg5[%add3A_97] : memref<13312xi32, #tpu.memory_space<vmem>> -> memref<104xi32, #tpu.memory_space<vmem>>
      %dma_wait3A_117 = arith.constant 0 : i32
      %dma_wait3A_118 = arith.constant 0 : i32
      %dma_wait3A_119 = tpu.memref_slice %arg3[%dma_wait3A_117, %dma_wait3A_118] : memref<26000x56xf32, #tpu.memory_space<hbm>> -> memref<26000x56xf32, #tpu.memory_space<hbm>>
      tpu.wait_indirect_dma semaphore(%arg8 : memref<!tpu.dma_semaphore, #tpu.memory_space<semaphore_mem>>) src(%dma_wait3A_119 : memref<26000x56xf32, #tpu.memory_space<hbm>>) dst(%dma_wait3A_115 : memref<104x56xf32, #tpu.memory_space<vmem>>)
      %dma_wait3A_120 = arith.constant 312 : i32
      %dma_wait3A_121 = arith.constant 0 : i32
      %dma_wait3A_122 = tpu.memref_slice %arg6[%dma_wait3A_120, %dma_wait3A_121] : memref<416x56xf32, #tpu.memory_space<vmem>> -> memref<104x56xf32, #tpu.memory_space<vmem>>
      %dma_wait3A_123 = tpu.memref_slice %arg5[%add3A_99] : memref<13312xi32, #tpu.memory_space<vmem>> -> memref<104xi32, #tpu.memory_space<vmem>>
      %dma_wait3A_124 = arith.constant 0 : i32
      %dma_wait3A_125 = arith.constant 0 : i32
      %dma_wait3A_126 = tpu.memref_slice %arg3[%dma_wait3A_124, %dma_wait3A_125] : memref<26000x56xf32, #tpu.memory_space<hbm>> -> memref<26000x56xf32, #tpu.memory_space<hbm>>
      tpu.wait_indirect_dma semaphore(%arg8 : memref<!tpu.dma_semaphore, #tpu.memory_space<semaphore_mem>>) src(%dma_wait3A_126 : memref<26000x56xf32, #tpu.memory_space<hbm>>) dst(%dma_wait3A_122 : memref<104x56xf32, #tpu.memory_space<vmem>>)
      %mul3A_127 = arith.constant 416 : i32
      %mul3A_128 = arith.muli %multiple_of3A_47, %mul3A_127 : i32
      %multiple_of3A_129 = tpu.assume_multiple %mul3A_128, 416 : i32
      %add3A_130 = arith.addi %mul3A_2, %multiple_of3A_129 : i32
      "tpu.region"() ({
        %run_scoped3A = tpu.sem_alloc : memref<!tpu.dma_semaphore, #tpu.memory_space<semaphore_mem>>
        %dma_start3A_182 = arith.constant 0 : i32
        %dma_start3A_183 = tpu.memref_slice %arg4[%add3A_130, %dma_start3A_182] : memref<425984x56xf32, #tpu.memory_space<hbm>> -> memref<416x56xf32, #tpu.memory_space<hbm>>
        %dma_start3A_184 = arith.constant 0 : i32
        %dma_start3A_185 = tpu.memref_slice %arg4[%add3A_130, %dma_start3A_184] : memref<425984x56xf32, #tpu.memory_space<hbm>> -> memref<416x56xf32, #tpu.memory_space<hbm>>
        tpu.enqueue_dma source(%arg6 : memref<416x56xf32, #tpu.memory_space<vmem>>) target(%dma_start3A_185 : memref<416x56xf32, #tpu.memory_space<hbm>>) target_semaphore(%run_scoped3A : memref<!tpu.dma_semaphore, #tpu.memory_space<semaphore_mem>>)
        %dma_wait3A_186 = arith.constant 0 : i32
        %dma_wait3A_187 = tpu.memref_slice %arg4[%add3A_130, %dma_wait3A_186] : memref<425984x56xf32, #tpu.memory_space<hbm>> -> memref<416x56xf32, #tpu.memory_space<hbm>>
        %dma_wait3A_188 = arith.constant 0 : i32
        %dma_wait3A_189 = tpu.memref_slice %arg4[%add3A_130, %dma_wait3A_188] : memref<425984x56xf32, #tpu.memory_space<hbm>> -> memref<416x56xf32, #tpu.memory_space<hbm>>
        tpu.wait_dma2 semaphore(%run_scoped3A : memref<!tpu.dma_semaphore, #tpu.memory_space<semaphore_mem>>) src(%arg6 : memref<416x56xf32, #tpu.memory_space<vmem>>) dst(%dma_wait3A_189 : memref<416x56xf32, #tpu.memory_space<hbm>>)
        tpu.yield
      }) : () -> ()
      %add3A_131 = arith.constant 2 : i32
      %add3A_132 = arith.addi %multiple_of3A_47, %add3A_131 : i32
      %lt3A = arith.constant 32 : i32
      %lt3A_133 = arith.cmpi slt, %add3A_132, %lt3A : i32
      %convert_element_type3A = arith.extui %lt3A_133 : i1 to i32
      %cond3A = arith.constant 0 : i32
      %cond3A_134 = arith.cmpi ne, %convert_element_type3A, %cond3A : i32
      scf.if %cond3A_134 {
        %add3A_182 = arith.constant 2 : i32
        %add3A_183 = arith.addi %multiple_of3A_47, %add3A_182 : i32
        %mul3A_184 = arith.constant 416 : i32
        %mul3A_185 = arith.muli %add3A_183, %mul3A_184 : i32
        %multiple_of3A_186 = tpu.assume_multiple %mul3A_185, 416 : i32
        %add3A_187 = arith.constant 0 : i32
        %add3A_188 = arith.addi %multiple_of3A_186, %add3A_187 : i32
        %add3A_189 = arith.constant 104 : i32
        %add3A_190 = arith.addi %multiple_of3A_186, %add3A_189 : i32
        %add3A_191 = arith.constant 208 : i32
        %add3A_192 = arith.addi %multiple_of3A_186, %add3A_191 : i32
        %add3A_193 = arith.constant 312 : i32
        %add3A_194 = arith.addi %multiple_of3A_186, %add3A_193 : i32
        %dma_start3A_195 = arith.constant 0 : i32
        %dma_start3A_196 = arith.constant 0 : i32
        %dma_start3A_197 = tpu.memref_slice %arg6[%dma_start3A_195, %dma_start3A_196] : memref<416x56xf32, #tpu.memory_space<vmem>> -> memref<104x56xf32, #tpu.memory_space<vmem>>
        %dma_start3A_198 = tpu.memref_slice %arg5[%add3A_188] : memref<13312xi32, #tpu.memory_space<vmem>> -> memref<104xi32, #tpu.memory_space<vmem>>
        %dma_start3A_199 = arith.constant 0 : i32
        %dma_start3A_200 = arith.constant 0 : i32
        %dma_start3A_201 = tpu.memref_slice %arg3[%dma_start3A_199, %dma_start3A_200] : memref<26000x56xf32, #tpu.memory_space<hbm>> -> memref<26000x56xf32, #tpu.memory_space<hbm>>
        tpu.enqueue_indirect_dma source(%dma_start3A_201 : memref<26000x56xf32, #tpu.memory_space<hbm>>) target(%dma_start3A_197 : memref<104x56xf32, #tpu.memory_space<vmem>>) offsets(%dma_start3A_198 : memref<104xi32, #tpu.memory_space<vmem>>) semaphore(%arg8 : memref<!tpu.dma_semaphore, #tpu.memory_space<semaphore_mem>>)
        %dma_start3A_202 = arith.constant 104 : i32
        %dma_start3A_203 = arith.constant 0 : i32
        %dma_start3A_204 = tpu.memref_slice %arg6[%dma_start3A_202, %dma_start3A_203] : memref<416x56xf32, #tpu.memory_space<vmem>> -> memref<104x56xf32, #tpu.memory_space<vmem>>
        %dma_start3A_205 = tpu.memref_slice %arg5[%add3A_190] : memref<13312xi32, #tpu.memory_space<vmem>> -> memref<104xi32, #tpu.memory_space<vmem>>
        %dma_start3A_206 = arith.constant 0 : i32
        %dma_start3A_207 = arith.constant 0 : i32
        %dma_start3A_208 = tpu.memref_slice %arg3[%dma_start3A_206, %dma_start3A_207] : memref<26000x56xf32, #tpu.memory_space<hbm>> -> memref<26000x56xf32, #tpu.memory_space<hbm>>
        tpu.enqueue_indirect_dma source(%dma_start3A_208 : memref<26000x56xf32, #tpu.memory_space<hbm>>) target(%dma_start3A_204 : memref<104x56xf32, #tpu.memory_space<vmem>>) offsets(%dma_start3A_205 : memref<104xi32, #tpu.memory_space<vmem>>) semaphore(%arg8 : memref<!tpu.dma_semaphore, #tpu.memory_space<semaphore_mem>>)
        %dma_start3A_209 = arith.constant 208 : i32
        %dma_start3A_210 = arith.constant 0 : i32
        %dma_start3A_211 = tpu.memref_slice %arg6[%dma_start3A_209, %dma_start3A_210] : memref<416x56xf32, #tpu.memory_space<vmem>> -> memref<104x56xf32, #tpu.memory_space<vmem>>
        %dma_start3A_212 = tpu.memref_slice %arg5[%add3A_192] : memref<13312xi32, #tpu.memory_space<vmem>> -> memref<104xi32, #tpu.memory_space<vmem>>
        %dma_start3A_213 = arith.constant 0 : i32
        %dma_start3A_214 = arith.constant 0 : i32
        %dma_start3A_215 = tpu.memref_slice %arg3[%dma_start3A_213, %dma_start3A_214] : memref<26000x56xf32, #tpu.memory_space<hbm>> -> memref<26000x56xf32, #tpu.memory_space<hbm>>
        tpu.enqueue_indirect_dma source(%dma_start3A_215 : memref<26000x56xf32, #tpu.memory_space<hbm>>) target(%dma_start3A_211 : memref<104x56xf32, #tpu.memory_space<vmem>>) offsets(%dma_start3A_212 : memref<104xi32, #tpu.memory_space<vmem>>) semaphore(%arg8 : memref<!tpu.dma_semaphore, #tpu.memory_space<semaphore_mem>>)
        %dma_start3A_216 = arith.constant 312 : i32
        %dma_start3A_217 = arith.constant 0 : i32
        %dma_start3A_218 = tpu.memref_slice %arg6[%dma_start3A_216, %dma_start3A_217] : memref<416x56xf32, #tpu.memory_space<vmem>> -> memref<104x56xf32, #tpu.memory_space<vmem>>
        %dma_start3A_219 = tpu.memref_slice %arg5[%add3A_194] : memref<13312xi32, #tpu.memory_space<vmem>> -> memref<104xi32, #tpu.memory_space<vmem>>
        %dma_start3A_220 = arith.constant 0 : i32
        %dma_start3A_221 = arith.constant 0 : i32
        %dma_start3A_222 = tpu.memref_slice %arg3[%dma_start3A_220, %dma_start3A_221] : memref<26000x56xf32, #tpu.memory_space<hbm>> -> memref<26000x56xf32, #tpu.memory_space<hbm>>
        tpu.enqueue_indirect_dma source(%dma_start3A_222 : memref<26000x56xf32, #tpu.memory_space<hbm>>) target(%dma_start3A_218 : memref<104x56xf32, #tpu.memory_space<vmem>>) offsets(%dma_start3A_219 : memref<104xi32, #tpu.memory_space<vmem>>) semaphore(%arg8 : memref<!tpu.dma_semaphore, #tpu.memory_space<semaphore_mem>>)
      } else {
      }
      %add3A_135 = arith.constant 1 : i32
      %add3A_136 = arith.addi %multiple_of3A_47, %add3A_135 : i32
      %mul3A_137 = arith.constant 416 : i32
      %mul3A_138 = arith.muli %add3A_136, %mul3A_137 : i32
      %multiple_of3A_139 = tpu.assume_multiple %mul3A_138, 416 : i32
      %add3A_140 = arith.constant 0 : i32
      %add3A_141 = arith.addi %multiple_of3A_139, %add3A_140 : i32
      %add3A_142 = arith.constant 104 : i32
      %add3A_143 = arith.addi %multiple_of3A_139, %add3A_142 : i32
      %add3A_144 = arith.constant 208 : i32
      %add3A_145 = arith.addi %multiple_of3A_139, %add3A_144 : i32
      %add3A_146 = arith.constant 312 : i32
      %add3A_147 = arith.addi %multiple_of3A_139, %add3A_146 : i32
      %dma_wait3A_148 = arith.constant 0 : i32
      %dma_wait3A_149 = arith.constant 0 : i32
      %dma_wait3A_150 = tpu.memref_slice %arg7[%dma_wait3A_148, %dma_wait3A_149] : memref<416x56xf32, #tpu.memory_space<vmem>> -> memref<104x56xf32, #tpu.memory_space<vmem>>
      %dma_wait3A_151 = tpu.memref_slice %arg5[%add3A_141] : memref<13312xi32, #tpu.memory_space<vmem>> -> memref<104xi32, #tpu.memory_space<vmem>>
      %dma_wait3A_152 = arith.constant 0 : i32
      %dma_wait3A_153 = arith.constant 0 : i32
      %dma_wait3A_154 = tpu.memref_slice %arg3[%dma_wait3A_152, %dma_wait3A_153] : memref<26000x56xf32, #tpu.memory_space<hbm>> -> memref<26000x56xf32, #tpu.memory_space<hbm>>
      tpu.wait_indirect_dma semaphore(%arg9 : memref<!tpu.dma_semaphore, #tpu.memory_space<semaphore_mem>>) src(%dma_wait3A_154 : memref<26000x56xf32, #tpu.memory_space<hbm>>) dst(%dma_wait3A_150 : memref<104x56xf32, #tpu.memory_space<vmem>>)
      %dma_wait3A_155 = arith.constant 104 : i32
      %dma_wait3A_156 = arith.constant 0 : i32
      %dma_wait3A_157 = tpu.memref_slice %arg7[%dma_wait3A_155, %dma_wait3A_156] : memref<416x56xf32, #tpu.memory_space<vmem>> -> memref<104x56xf32, #tpu.memory_space<vmem>>
      %dma_wait3A_158 = tpu.memref_slice %arg5[%add3A_143] : memref<13312xi32, #tpu.memory_space<vmem>> -> memref<104xi32, #tpu.memory_space<vmem>>
      %dma_wait3A_159 = arith.constant 0 : i32
      %dma_wait3A_160 = arith.constant 0 : i32
      %dma_wait3A_161 = tpu.memref_slice %arg3[%dma_wait3A_159, %dma_wait3A_160] : memref<26000x56xf32, #tpu.memory_space<hbm>> -> memref<26000x56xf32, #tpu.memory_space<hbm>>
      tpu.wait_indirect_dma semaphore(%arg9 : memref<!tpu.dma_semaphore, #tpu.memory_space<semaphore_mem>>) src(%dma_wait3A_161 : memref<26000x56xf32, #tpu.memory_space<hbm>>) dst(%dma_wait3A_157 : memref<104x56xf32, #tpu.memory_space<vmem>>)
      %dma_wait3A_162 = arith.constant 208 : i32
      %dma_wait3A_163 = arith.constant 0 : i32
      %dma_wait3A_164 = tpu.memref_slice %arg7[%dma_wait3A_162, %dma_wait3A_163] : memref<416x56xf32, #tpu.memory_space<vmem>> -> memref<104x56xf32, #tpu.memory_space<vmem>>
      %dma_wait3A_165 = tpu.memref_slice %arg5[%add3A_145] : memref<13312xi32, #tpu.memory_space<vmem>> -> memref<104xi32, #tpu.memory_space<vmem>>
      %dma_wait3A_166 = arith.constant 0 : i32
      %dma_wait3A_167 = arith.constant 0 : i32
      %dma_wait3A_168 = tpu.memref_slice %arg3[%dma_wait3A_166, %dma_wait3A_167] : memref<26000x56xf32, #tpu.memory_space<hbm>> -> memref<26000x56xf32, #tpu.memory_space<hbm>>
      tpu.wait_indirect_dma semaphore(%arg9 : memref<!tpu.dma_semaphore, #tpu.memory_space<semaphore_mem>>) src(%dma_wait3A_168 : memref<26000x56xf32, #tpu.memory_space<hbm>>) dst(%dma_wait3A_164 : memref<104x56xf32, #tpu.memory_space<vmem>>)
      %dma_wait3A_169 = arith.constant 312 : i32
      %dma_wait3A_170 = arith.constant 0 : i32
      %dma_wait3A_171 = tpu.memref_slice %arg7[%dma_wait3A_169, %dma_wait3A_170] : memref<416x56xf32, #tpu.memory_space<vmem>> -> memref<104x56xf32, #tpu.memory_space<vmem>>
      %dma_wait3A_172 = tpu.memref_slice %arg5[%add3A_147] : memref<13312xi32, #tpu.memory_space<vmem>> -> memref<104xi32, #tpu.memory_space<vmem>>
      %dma_wait3A_173 = arith.constant 0 : i32
      %dma_wait3A_174 = arith.constant 0 : i32
      %dma_wait3A_175 = tpu.memref_slice %arg3[%dma_wait3A_173, %dma_wait3A_174] : memref<26000x56xf32, #tpu.memory_space<hbm>> -> memref<26000x56xf32, #tpu.memory_space<hbm>>
      tpu.wait_indirect_dma semaphore(%arg9 : memref<!tpu.dma_semaphore, #tpu.memory_space<semaphore_mem>>) src(%dma_wait3A_175 : memref<26000x56xf32, #tpu.memory_space<hbm>>) dst(%dma_wait3A_171 : memref<104x56xf32, #tpu.memory_space<vmem>>)
      %add3A_176 = arith.constant 1 : i32
      %add3A_177 = arith.addi %multiple_of3A_47, %add3A_176 : i32
      %mul3A_178 = arith.constant 416 : i32
      %mul3A_179 = arith.muli %add3A_177, %mul3A_178 : i32
      %multiple_of3A_180 = tpu.assume_multiple %mul3A_179, 416 : i32
      %add3A_181 = arith.addi %mul3A_2, %multiple_of3A_180 : i32
      "tpu.region"() ({
        %run_scoped3A = tpu.sem_alloc : memref<!tpu.dma_semaphore, #tpu.memory_space<semaphore_mem>>
        %dma_start3A_182 = arith.constant 0 : i32
        %dma_start3A_183 = tpu.memref_slice %arg4[%add3A_181, %dma_start3A_182] : memref<425984x56xf32, #tpu.memory_space<hbm>> -> memref<416x56xf32, #tpu.memory_space<hbm>>
        %dma_start3A_184 = arith.constant 0 : i32
        %dma_start3A_185 = tpu.memref_slice %arg4[%add3A_181, %dma_start3A_184] : memref<425984x56xf32, #tpu.memory_space<hbm>> -> memref<416x56xf32, #tpu.memory_space<hbm>>
        tpu.enqueue_dma source(%arg7 : memref<416x56xf32, #tpu.memory_space<vmem>>) target(%dma_start3A_185 : memref<416x56xf32, #tpu.memory_space<hbm>>) target_semaphore(%run_scoped3A : memref<!tpu.dma_semaphore, #tpu.memory_space<semaphore_mem>>)
        %dma_wait3A_186 = arith.constant 0 : i32
        %dma_wait3A_187 = tpu.memref_slice %arg4[%add3A_181, %dma_wait3A_186] : memref<425984x56xf32, #tpu.memory_space<hbm>> -> memref<416x56xf32, #tpu.memory_space<hbm>>
        %dma_wait3A_188 = arith.constant 0 : i32
        %dma_wait3A_189 = tpu.memref_slice %arg4[%add3A_181, %dma_wait3A_188] : memref<425984x56xf32, #tpu.memory_space<hbm>> -> memref<416x56xf32, #tpu.memory_space<hbm>>
        tpu.wait_dma2 semaphore(%run_scoped3A : memref<!tpu.dma_semaphore, #tpu.memory_space<semaphore_mem>>) src(%arg7 : memref<416x56xf32, #tpu.memory_space<vmem>>) dst(%dma_wait3A_189 : memref<416x56xf32, #tpu.memory_space<hbm>>)
        tpu.yield
      }) : () -> ()
    }
    %scan3A_43 = arith.constant 16 : i32
    return
  }
}

</mosaic_0001>

<sc_bundles>
// kernel: kernel.3.cloned.1.call-start
scs
__scs_entry_jumppad:
0x0: {  	(pc) =	sbr.rel $0x88, $3  }
0x1: {  	(tag) =	ssettag $0x0;
	lr =	simm.s32 $0x1  }
0x2: {  	[smem:$0x3F9F] =	sst lr;
	_ =	strace $0xD0000000  }
0x3: {  	_ = 	snop  }
0x4: {  	_ = 	snop  }
0x5: {  	_ = 	snop  }
0x6: {  	_ = 	snop  }
0x7: {  	_ = 	snop  }
__scs_overlays_trampoline_lowered:
0x8: {  	[smem:$0x3FAE] =	sst s0  }
0x9: {  	[smem:$0x3FAF] =	sst s1  }
0xa: {  	[smem:$0x3FB0] =	sst s2  }
0xb: {  	[smem:$0x3FB1] =	sst s3  }
0xc: {  	[smem:$0x3FB2] =	sst s4  }
0xd: {  	[smem:$0x3FB3] =	sst s5  }
0xe: {  	[smem:$0x3FB4] =	sst s6  }
0xf: {  	[smem:$0x3FB5] =	sst s7  }
0x10: {  	[smem:$0x3FB6] =	sst s8  }
0x11: {  	[smem:$0x3FB7] =	sst s9;
	s0 =	simm.s32 @!p0 $0x0  }
0x12: {  	s1 =	sld [smem:$0x3F9D];
	s0 =	simm.s32 @p0 $0x1  }
0x13: {  	[smem:$0x3FB8] =	sst s0;
	s0 =	simm.s32 @!p1 $0x0  }
0x14: {  	s2 =	sld [smem:$0x3F9C];
	s0 =	simm.s32 @p1 $0x1  }
0x15: {  	[smem:$0x3FB9] =	sst s0;
	s0 =	simm.s32 @!p2 $0x0  }
0x16: {  	s3 =	sld [smem:$0x3FDB];
	s0 =	simm.s32 @p2 $0x1  }
0x17: {  	s4 =	simm.s32 $0x1BF5;
	[smem:$0x3FBB] =	sst s0  }
0x18: {  	s0 =	sld [smem:$0x3F9E];
	_ =	swait.ge [sflag:s4], $0x0  }
0x19: {  	s7 =	sld [smem:$0x3F9F]  }
0x1a: {  	s8 =	sadd.s32 $0xFFFFE003, lr  }
0x1b: {  	s9 =	sadd.s32 $0xFFFFFEF7, lr;
	s5 =	simm.s32 $0xFFFFFFFF;
	p2 =	slt.u32 s8, $0xFFFFF086  }
0x1c: {  	p1 =	slt.u32 s9, $0xF7A;
	s5 =	simm.s32 @!p2 $0x0  }
0x1d: {  	s5 =	simm.s32 @p1 $0x1;
	p0 =	seq.s32 s7, s2  }
0x1e: {  	s7 =	smul.u32 @!p0 $0xF7A, s2;
	p2 =	seq.s32 @!p0 s5, $0x0  }
0x1f: {  	s9 =	smul.u32 $0xF7A, s1;
	s8 =	simm.s32 @!p0 $0x1BF5;
	p2 =	por !p2, p0  }
0x20: {  	[sflag:s8] =	ssyncset.s32 @!p0 $0xFFFFF086;
	s6 =	sadd.s32 @!p0 s3, s7;
	s7 =	simm.s32 @!p0 $0x108  }
0x21: {  	s3 =	sadd.s32 s3, s9;
	s6 =	sadd.s32 @!p0 $0x88, s6;
	s7 =	simm.s32 @p2 $0x1082  }
0x22: {  	[simem:s7], [sflag:s8] =	dma.local @!p0 [hbm:s6], $0xF7A  }
0x23: {  	s9 =	sor.u32 $0xD0000000, s2;
	s6 =	simm.s32 $0x108;
	_ =	swait.ge @!p0 [sflag:s8], $0x0  }
0x24: {  	s3 =	sadd.s32 $0x88, s3;
	s6 =	simm.s32 @!p1 $0x1082;
	[sflag:s4] =	ssyncset.s32 $0xFFFFF086  }
0x25: {  	[simem:s6], [sflag:s4] =	dma.local [hbm:s3], $0xF7A  }
0x26: {  	[smem:$0x3F9F] =	sst s1;
	(tag) =	ssettag s2;
	_ =	strace s9  }
0x27: {  	s1 =	sld [smem:$0x3FAF]  }
0x28: {  	s2 =	sld [smem:$0x3FB0]  }
0x29: {  	s4 =	sld [smem:$0x3FB2]  }
0x2a: {  	p0 =	seq.s32 s5, $0x0;
	s5 =	sld [smem:$0x3FB3]  }
0x2b: {  	s6 =	sld [smem:$0x3FB4]  }
0x2c: {  	s7 =	sld [smem:$0x3FB5]  }
0x2d: {  	s3 =	simm.s32 $0x108;
	s8 =	sld [smem:$0x3FB6]  }
0x2e: {  	s3 =	simm.s32 @!p0 $0x1082;
	s9 =	sld [smem:$0x3FB7]  }
0x2f: {  	lr =	sadd.s32 s0, s3;
	s0 =	sld [smem:$0x3FAE]  }
0x30: {  	s3 =	sld [smem:$0x3FB1]  }
0x31: {  	[smem:$0x3FBA] =	sst s10  }
0x32: {  	s10 =	sld [smem:$0x3FB8];
	_ =	sdelay $0x3  }
0x33: {  	p0 =	seq.s32 s10, $0x1;
	s10 =	sld [smem:$0x3FBA];
	_ =	sdelay $0x3  }
0x34: {  	[smem:$0x3FBA] =	sst s10  }
0x35: {  	s10 =	sld [smem:$0x3FB9];
	_ =	sdelay $0x3  }
0x36: {  	p1 =	seq.s32 s10, $0x1;
	s10 =	sld [smem:$0x3FBA];
	_ =	sdelay $0x3  }
0x37: {  	[smem:$0x3FBA] =	sst s10  }
0x38: {  	s10 =	sld [smem:$0x3FBB]  }
0x39: {  	_ = 	snop;
	(pc) =	sbr.ind lr, $3  }
0x3a: {  	_ = 	snop  }
0x3b: {  	_ = 	snop  }
0x3c: {  	p2 =	seq.s32 s10, $0x1;
	s10 =	sld [smem:$0x3FBA]  }
0x3d: {  	_ =	shalt  }
0x3e: {  	_ =	shalt  }
0x3f: {  	_ =	shalt  }
0x40: {  	_ =	shalt  }
0x41: {  	_ =	shalt  }
0x42: {  	_ =	shalt  }
0x43: {  	_ =	shalt  }
0x44: {  	_ =	shalt  }
0x45: {  	_ =	shalt  }
0x46: {  	_ =	shalt  }
0x47: {  	_ =	shalt  }
0x48: {  	_ =	shalt  }
0x49: {  	_ =	shalt  }
0x4a: {  	_ =	shalt  }
0x4b: {  	_ =	shalt  }
0x4c: {  	_ =	shalt  }
0x4d: {  	_ =	shalt  }
0x4e: {  	_ =	shalt  }
0x4f: {  	_ =	shalt  }
0x50: {  	_ =	shalt  }
0x51: {  	_ =	shalt  }
0x52: {  	_ =	shalt  }
0x53: {  	_ =	shalt  }
0x54: {  	_ =	shalt  }
0x55: {  	_ =	shalt  }
0x56: {  	_ =	shalt  }
0x57: {  	_ =	shalt  }
0x58: {  	_ =	shalt  }
0x59: {  	_ =	shalt  }
0x5a: {  	_ =	shalt  }
0x5b: {  	_ =	shalt  }
0x5c: {  	_ =	shalt  }
0x5d: {  	_ =	shalt  }
0x5e: {  	_ =	shalt  }
0x5f: {  	_ =	shalt  }
0x60: {  	_ =	shalt  }
0x61: {  	_ =	shalt  }
0x62: {  	_ =	shalt  }
0x63: {  	_ =	shalt  }
0x64: {  	_ =	shalt  }
0x65: {  	_ =	shalt  }
0x66: {  	_ =	shalt  }
0x67: {  	_ =	shalt  }
0x68: {  	_ =	shalt  }
0x69: {  	_ =	shalt  }
0x6a: {  	_ =	shalt  }
0x6b: {  	_ =	shalt  }
0x6c: {  	_ =	shalt  }
0x6d: {  	_ =	shalt  }
0x6e: {  	_ =	shalt  }
0x6f: {  	_ =	shalt  }
0x70: {  	_ =	shalt  }
0x71: {  	_ =	shalt  }
0x72: {  	_ =	shalt  }
0x73: {  	_ =	shalt  }
0x74: {  	_ =	shalt  }
0x75: {  	_ =	shalt  }
0x76: {  	_ =	shalt  }
0x77: {  	_ =	shalt  }
0x78: {  	_ =	shalt  }
0x79: {  	_ =	shalt  }
0x7a: {  	_ =	shalt  }
0x7b: {  	_ =	shalt  }
0x7c: {  	_ =	shalt  }
0x7d: {  	_ =	shalt  }
0x7e: {  	_ =	shalt  }
0x7f: {  	_ =	shalt  }
0x80: {  	_ =	shalt  }
0x81: {  	_ =	shalt  }
0x82: {  	_ =	shalt  }
0x83: {  	_ =	shalt  }
0x84: {  	_ =	shalt  }
0x85: {  	_ =	shalt  }
0x86: {  	_ =	shalt  }
0x87: {  	_ =	shalt  }
.Lfunc_end0:
.L_simem_size_0:
called_computation.1_lowered:
.L_overlay_start_0:
0x88: {  	s2 =	sld [smem:$0x3FD9]  }
0x89: {  	s3 =	sld [smem:$0x3FFE];
	_ =	sdelay $0x1  }
0x8a: {  	s1 =	srdreg.scid  }
0x8b: {  	s0 =	sand.u32 $0x1, s1  }
0x8c: {  	s17 =	sshll.u32 s0, $0xA;
	s2 =	sadd.s32 s3, s2  }
0x8d: {  	s2 =	sadd.s32 s2, s17  }
0x8e: {  	[smem:$0x3FC6] =	sst s2  }
0x8f: {  	_ = 	snop  }
0x90: {  	s2 =	sld [smem:$0x3FD0];
	(tm) =	ssettm $0x1  }
0x91: {  	s18 =	sld [smem:$0x3FFB];
	_ =	sdelay $0x3  }
0x92: {  	_ =	strace s18  }
0x93: {  	s3 =	sld [smem:$0x3FFC];
	_ =	sdelay $0x3  }
0x94: {  	_ =	strace s3  }
0x95: {  	s3 =	sld [smem:$0x3FFD];
	_ =	sdelay $0x3  }
0x96: {  	_ =	strace s3  }
0x97: {  	_ =	strace $0x8FFFFFFF  }
0x98: {  	s19 =	sld [smem:$0x3FDB];
	_ =	sdelay $0x1  }
0x99: {  	s4 =	simm.s32 $_scs_section_size  }
0x9a: {  	s5 =	simm.s32 $_size__tile_overlayer_lowered;
	s6 =	simm.s32 $_tile_overlayer_lowered  }
0x9b: {  	s22 =	simm.s32 $0x1BFF;
	s21 =	sshll.u32 s6, $0x1;
	s3 =	sadd.s32 s4, s19  }
0x9c: {  	s7 =	simm.s32 $0x0;
	s20 =	sshll.u32 s5, $0x1;
	s5 =	sadd.s32 s21, s3  }
0x9d: {  	[timem:s7], [sflag:s22] =	dma.local [hbm:s5], s20  }
0x9e: {  	_ =	swait.ge [sflag:s22], s20  }
0x9f: {  	s4 =	ssub.s32 $0x0, s20;
	[sflag:s22] =	ssyncset.done $0x0  }
0xa0: {  	[sflag:s22] =	ssyncadd.s32 s4;
	_ =	sdelay $0x1  }
0xa1: {  	s23 =	simm.s32 $0x1B8B  }
0xa2: {  	_ =	swait.ge [sflag:s23], $0x1  }
0xa3: {  	[sflag:s23] =	ssyncset.done $0x0  }
0xa4: {  	s25 =	simm.s32 $0x1B8E;
	s24 =	sld [smem:$0x3FFE];
	[sflag:s23] =	ssyncadd.s32 $0xFFFFFFFF  }
0xa5: {  	s26 =	simm.s32 $execute0_lowered;
	[smem:$0x3FD2] =	sst s25  }
0xa6: {  	s5 =	sshll.u32 s26, $0x1;
	_ =	strace $0x80000046;
	[dreg:$0x1] =	wrdreg $0xFFFFFFFF  }
0xa7: {  	s28 =	simm.s32 $_size_execute0_lowered;
	s3 =	sadd.s32 s3, s5;
	[dreg:$0x0] =	wrdreg $0x0  }
0xa8: {  	s5 =	sshll.u32 s28, $0x1;
	[dreg:$0x2] =	wrdreg s3  }
0xa9: {  	[dreg:$0x3] =	wrdreg s5  }
0xaa: {  	[dreg:$0x4] =	wrdreg $0xC0  }
0xab: {  	_ =	task [dreg:s7], $0x5FFFF  }
0xac: {  	[dreg:$0x1] =	wrdreg $0xFFFFFFFF  }
0xad: {  	[dreg:$0x0] =	wrdreg $0x60  }
0xae: {  	[dreg:$0x2] =	wrdreg s24  }
0xaf: {  	[dreg:$0x3] =	wrdreg s2  }
0xb0: {  	[dreg:$0x4] =	wrdreg $0x9  }
0xb1: {  	_ =	task.clear_ibuf [dreg:s7], $0x5FFFF;
	_ =	strace $0x90000046  }
0xb2: {  	s29 =	simm.s32 $0x9;
	_ =	strace $0x80000048  }
0xb3: {  	_ =	swait.ge [sflag:s29], $0x1  }
0xb4: {  	[sflag:s29] =	ssyncadd.s32 $0xFFFFFFFF  }
0xb5: {  	_ =	strace $0x90000048  }
0xb6: {  	_ =	sfence  }
0xb7: {  	s30 =	sld [smem:$0x0];
	_ =	sdelay $0x2  }
0xb8: {  	s31 =	sshll.u32 s1, $0xD;
	s1 =	sshrl.u32 s1, $0x2  }
0xb9: {  	s3 =	sand.u32 $0x4000, s31;
	s1 =	sadd.s32 s1, s30  }
0xba: {  	s0 =	sor.u32 s3, s0;
	s1 =	sshll.u32 s1, $0x11  }
0xbb: {  	s0 =	sor.u32 s1, s0  }
0xbc: {  	s0 =	sadd.s32 $0x8F2B, s0  }
0xbd: {  	[sflag:s0] =	ssyncadd.remote.s32 $0x1  }
0xbe: {  	_ =	sfence.sel $0xFFFF  }
0xbf: {  	[dreg:$0x0] =	wrdreg $0xFFFFFFFF;
	(pc) =	sbr.abs _section_cstart, $3  }
0xc0: {  	[dreg:$0x1] =	wrdreg $0xFFFFFFFF  }
0xc1: {  	_ =	task.clear_ibuf [dreg:s7], $0x2FFFF;
	_ =	strace $0x9FFFFFFF  }
0xc2: {  	(tm) =	ssettm $0x7FFFFFFF  }
0xc3: {  	_ =	shalt  }
tec
execute0_lowered:
.L_overlay_start_1:
0x0: {  	(tag) =	ssettag $0x1  }
0x1: {  	s0 =	srdreg.scid  }
0x2: {  	s9 =	stileid.u32;
	s1 =	rddreg [dreg:$0x0]  }
0x3: {  	s2 =	rddreg [dreg:$0x1];
	s10 =	simm.s32 $0x68;
	s11 =	simm.s32 $0x3400  }
0x4: {  	s12 =	simm.s32 $0x4AC0;
	s14 =	simm.s32 $0x6180;
	s15 =	simm.s32 $0x138  }
0x5: {  	s16 =	simm.s32 $0x7840;
	s17 =	simm.s32 $0x8F00;
	s18 =	simm.s32 $0xA5C0  }
0x6: {  	s19 =	simm.s32 $0xBC80;
	s20 =	simm.s32 $0xD340;
	s21 =	simm.s32 $0x1  }
0x7: {  	s22 =	simm.s32 $0x2;
	s23 =	simm.s32 $0x3260;
	s24 =	simm.s32 $0x32C8  }
0x8: {  	s25 =	simm.s32 $0x3330;
	s0 =	sand.u32 $0x1, s0;
	s3 =	sshll.u32 s9, $0x1  }
0x9: {  	s26 =	simm.s32 $0x3398;
	s31 =	smul.u32 $0x2D800, s9;
	s4 =	sor.u32 s0, s3  }
0xa: {  	s28 =	simm.s32 $0x0;
	s9 =	simm.s32 $0x3;
	s5 =	smul.u32 $0x3400, s4  }
0xb: {  	s3 =	simm.s32 $0x0;
	s6 =	ssub.s32 $0x2, s0;
	s0 =	smul.u32 $0x16C00, s0  }
0xc: {  	[smem:$0x7FF] =	sst s3;
	s7 =	sshrl.u32 s6, $0x1;
	s5 =	sshrl.u32 s5, $0x3  }
0xd: {  	s8 =	smul.u32 $0x16C00, s4;
	_ =	strace $0x80000047;
	s5 =	sadd.s32 s5, s1  }
0xe: {  	s6 =	ssub.s32 s6, s7;
	s1 =	sadd.s32 $0xD600, s1;
	s4 =	sadd.s32 $0x600, s5  }
0xf: {  	s8 =	sadd.s32 s1, s8;
	s5 =	smax.u32 s6, $0x1;
	s1 =	sadd.s32 s31, s1  }
0x10: {  	s6 =	sadd.s32 $0x15540, s8;
	s7 =	sadd.s32 $0x160A0, s8;
	s8 =	sadd.s32 s0, s1  }
.LBB2_1:
0x11: {  	[tilespmem:s3], [sflag:$0x3] =	stream.linear.gather [hbm4b:s4+s3], $0x3400, $0x38;
	[tilespmem:$0xEA00] =	vst v63  }
0x12: {  	_ =	swait.ge [sflag:s9], $0x3400  }
0x13: {  	[sflag:s9] =	ssyncset.done $0x0  }
0x14: {  	[sflag:s9] =	ssyncadd.s32 $0xFFFFCC00  }
0x15: {  	[tilespmem:s11], [sflag:$0x1] =	stream.indirect.gather [hbm4b:s2+s10], $0x38, s3, s10, $0xb8;
	[tilespmem:$0xEA00] =	vst v63  }
0x16: {  	_ = 	snop  }
0x17: {  	[tilespmem:s12], [sflag:$0x1] =	stream.indirect.gather [hbm4b:s2+s10], $0x38, s10, s10, $0xb8;
	[tilespmem:$0xEA00] =	vst v63  }
0x18: {  	s0 =	simm.s32 $0xD0  }
0x19: {  	[tilespmem:s14], [sflag:$0x1] =	stream.indirect.gather [hbm4b:s2+s10], $0x38, s0, s10, $0xb8;
	[tilespmem:$0xEA00] =	vst v63  }
0x1a: {  	_ = 	snop  }
0x1b: {  	[tilespmem:s16], [sflag:$0x1] =	stream.indirect.gather [hbm4b:s2+s10], $0x38, s15, s10, $0xb8;
	[tilespmem:$0xEA00] =	vst v63  }
0x1c: {  	s13 =	simm.s32 $0x1A0  }
0x1d: {  	[tilespmem:s17], [sflag:$0x2] =	stream.indirect.gather [hbm4b:s2+s10], $0x38, s13, s10, $0xb8;
	[tilespmem:$0xEA00] =	vst v63  }
0x1e: {  	s1 =	simm.s32 $0x208  }
0x1f: {  	[tilespmem:s18], [sflag:$0x2] =	stream.indirect.gather [hbm4b:s2+s10], $0x38, s1, s10, $0xb8;
	[tilespmem:$0xEA00] =	vst v63  }
0x20: {  	s13 =	simm.s32 $0x270  }
0x21: {  	[tilespmem:s19], [sflag:$0x2] =	stream.indirect.gather [hbm4b:s2+s10], $0x38, s13, s10, $0xb8;
	[tilespmem:$0xEA00] =	vst v63  }
0x22: {  	s1 =	simm.s32 $0x2D8  }
0x23: {  	[tilespmem:s20], [sflag:$0x2] =	stream.indirect.gather [hbm4b:s2+s10], $0x38, s1, s10, $0xb8;
	[tilespmem:$0xEA00] =	vst v63  }
0x24: {  	_ =	swait.ge [sflag:s21], $0x16C0  }
0x25: {  	[sflag:s21] =	ssyncset.done $0x0  }
0x26: {  	[sflag:s21] =	ssyncadd.s32 $0xFFFFE940  }
0x27: {  	_ =	swait.ge [sflag:s21], $0x16C0  }
0x28: {  	[sflag:s21] =	ssyncset.done $0x0  }
0x29: {  	[sflag:s21] =	ssyncadd.s32 $0xFFFFE940  }
0x2a: {  	_ =	swait.ge [sflag:s21], $0x16C0  }
0x2b: {  	[sflag:s21] =	ssyncset.done $0x0  }
0x2c: {  	[sflag:s21] =	ssyncadd.s32 $0xFFFFE940  }
0x2d: {  	_ =	swait.ge [sflag:s21], $0x16C0  }
0x2e: {  	[sflag:s21] =	ssyncset.done $0x0  }
0x2f: {  	[sflag:s21] =	ssyncadd.s32 $0xFFFFE940  }
0x30: {  	[hbm4b:s8+s3] =	stream.linear.scatter [tilespmem:s11], [sflag:$0x3], $0x5B00, $0x38;
	[tilespmem:$0xEA00] =	vst v63  }
0x31: {  	_ =	swait.ge [sflag:s9], $0x5B00  }
0x32: {  	[sflag:s9] =	ssyncset.done $0x0  }
0x33: {  	s13 =	simm.s32 $0x340;
	[sflag:s9] =	ssyncadd.s32 $0xFFFFA500  }
0x34: {  	[tilespmem:s11], [sflag:$0x1] =	stream.indirect.gather [hbm4b:s2+s10], $0x38, s13, s10, $0xb8;
	[tilespmem:$0xEA00] =	vst v63  }
0x35: {  	s1 =	simm.s32 $0x3A8  }
0x36: {  	[tilespmem:s12], [sflag:$0x1] =	stream.indirect.gather [hbm4b:s2+s10], $0x38, s1, s10, $0xb8;
	[tilespmem:$0xEA00] =	vst v63  }
0x37: {  	s13 =	simm.s32 $0x410  }
0x38: {  	[tilespmem:s14], [sflag:$0x1] =	stream.indirect.gather [hbm4b:s2+s10], $0x38, s13, s10, $0xb8;
	[tilespmem:$0xEA00] =	vst v63  }
0x39: {  	s1 =	simm.s32 $0x478  }
0x3a: {  	[tilespmem:s16], [sflag:$0x1] =	stream.indirect.gather [hbm4b:s2+s10], $0x38, s1, s10, $0xb8;
	[tilespmem:$0xEA00] =	vst v63  }
0x3b: {  	_ =	swait.ge [sflag:s22], $0x16C0  }
0x3c: {  	[sflag:s22] =	ssyncset.done $0x0  }
0x3d: {  	[sflag:s22] =	ssyncadd.s32 $0xFFFFE940  }
0x3e: {  	_ =	swait.ge [sflag:s22], $0x16C0  }
0x3f: {  	[sflag:s22] =	ssyncset.done $0x0  }
0x40: {  	[sflag:s22] =	ssyncadd.s32 $0xFFFFE940  }
0x41: {  	_ =	swait.ge [sflag:s22], $0x16C0  }
0x42: {  	[sflag:s22] =	ssyncset.done $0x0  }
0x43: {  	[sflag:s22] =	ssyncadd.s32 $0xFFFFE940  }
0x44: {  	_ =	swait.ge [sflag:s22], $0x16C0  }
0x45: {  	[sflag:s22] =	ssyncset.done $0x0  }
0x46: {  	s13 =	sadd.s32 $0xB60, s8;
	[sflag:s22] =	ssyncadd.s32 $0xFFFFE940  }
0x47: {  	[hbm4b:s13+s3] =	stream.linear.scatter [tilespmem:s17], [sflag:$0x3], $0x5B00, $0x38;
	[tilespmem:$0xEA00] =	vst v63  }
0x48: {  	s31 =	simm.s32 $0x1A00;
	_ =	swait.ge [sflag:s9], $0x5B00  }
0x49: {  	s30 =	simm.s32 $0x340;
	s29 =	sadd.s32 $0x16C0, s8;
	[sflag:s9] =	ssyncset.done $0x0  }
.LBB2_2:
0x4a: {  	s13 =	sadd.s32 $0x1A0, s30  }
0x4b: {  	[sflag:s9] =	ssyncadd.s32 $0xFFFFA500;
	s1 =	smov.u32 s31;
	s0 =	sadd.s32 $0xD00, s31  }
0x4c: {  	[tilespmem:s17], [sflag:$0x2] =	stream.indirect.gather [hbm4b:s2+s10], $0x38, s13, s10, $0xb8;
	[tilespmem:$0xEA00] =	vst v63  }
0x4d: {  	p0 =	sne.s32 s31, $0xB600;
	s13 =	sadd.s32 $0x208, s30  }
0x4e: {  	[tilespmem:s18], [sflag:$0x2] =	stream.indirect.gather [hbm4b:s2+s10], $0x38, s13, s10, $0xb8;
	[tilespmem:$0xEA00] =	vst v63  }
0x4f: {  	s13 =	sadd.s32 $0x270, s30  }
0x50: {  	[tilespmem:s19], [sflag:$0x2] =	stream.indirect.gather [hbm4b:s2+s10], $0x38, s13, s10, $0xb8;
	[tilespmem:$0xEA00] =	vst v63  }
0x51: {  	s13 =	sadd.s32 $0x2D8, s30  }
0x52: {  	[tilespmem:s20], [sflag:$0x2] =	stream.indirect.gather [hbm4b:s2+s10], $0x38, s13, s10, $0xb8;
	[tilespmem:$0xEA00] =	vst v63  }
0x53: {  	_ =	swait.ge [sflag:s21], $0x16C0  }
0x54: {  	[sflag:s21] =	ssyncset.done $0x0  }
0x55: {  	[sflag:s21] =	ssyncadd.s32 $0xFFFFE940  }
0x56: {  	_ =	swait.ge [sflag:s21], $0x16C0  }
0x57: {  	[sflag:s21] =	ssyncset.done $0x0  }
0x58: {  	[sflag:s21] =	ssyncadd.s32 $0xFFFFE940  }
0x59: {  	_ =	swait.ge [sflag:s21], $0x16C0  }
0x5a: {  	[sflag:s21] =	ssyncset.done $0x0  }
0x5b: {  	[sflag:s21] =	ssyncadd.s32 $0xFFFFE940  }
0x5c: {  	_ =	swait.ge [sflag:s21], $0x16C0  }
0x5d: {  	[sflag:s21] =	ssyncset.done $0x0  }
0x5e: {  	[sflag:s21] =	ssyncadd.s32 $0xFFFFE940  }
0x5f: {  	[hbm4b:s29+s3] =	stream.linear.scatter [tilespmem:s11], [sflag:$0x3], $0x5B00, $0x38;
	[tilespmem:$0xEA00] =	vst v63  }
0x60: {  	_ =	swait.ge [sflag:s9], $0x5B00  }
0x61: {  	[sflag:s9] =	ssyncset.done $0x0  }
0x62: {  	s13 =	sadd.s32 $0x340, s30;
	[sflag:s9] =	ssyncadd.s32 $0xFFFFA500  }
0x63: {  	[tilespmem:s11], [sflag:$0x1] =	stream.indirect.gather [hbm4b:s2+s10], $0x38, s13, s10, $0xb8;
	[tilespmem:$0xEA00] =	vst v63  }
0x64: {  	s13 =	sadd.s32 $0x3A8, s30  }
0x65: {  	[tilespmem:s12], [sflag:$0x1] =	stream.indirect.gather [hbm4b:s2+s10], $0x38, s13, s10, $0xb8;
	[tilespmem:$0xEA00] =	vst v63  }
0x66: {  	s13 =	sadd.s32 $0x410, s30  }
0x67: {  	[tilespmem:s14], [sflag:$0x1] =	stream.indirect.gather [hbm4b:s2+s10], $0x38, s13, s10, $0xb8;
	[tilespmem:$0xEA00] =	vst v63  }
0x68: {  	s13 =	sadd.s32 $0x478, s30  }
0x69: {  	[tilespmem:s16], [sflag:$0x1] =	stream.indirect.gather [hbm4b:s2+s10], $0x38, s13, s10, $0xb8;
	[tilespmem:$0xEA00] =	vst v63  }
0x6a: {  	_ =	swait.ge [sflag:s22], $0x16C0  }
0x6b: {  	[sflag:s22] =	ssyncset.done $0x0  }
0x6c: {  	[sflag:s22] =	ssyncadd.s32 $0xFFFFE940  }
0x6d: {  	_ =	swait.ge [sflag:s22], $0x16C0  }
0x6e: {  	[sflag:s22] =	ssyncset.done $0x0  }
0x6f: {  	[sflag:s22] =	ssyncadd.s32 $0xFFFFE940  }
0x70: {  	_ =	swait.ge [sflag:s22], $0x16C0  }
0x71: {  	[sflag:s22] =	ssyncset.done $0x0  }
0x72: {  	[sflag:s22] =	ssyncadd.s32 $0xFFFFE940  }
0x73: {  	_ =	swait.ge [sflag:s22], $0x16C0  }
.Ltmp0:
0x74: {  	[sflag:s22] =	ssyncset.done $0x0;
	(pc) =	sbr.rel @p0 .LBB2_2-.Ltmp0, $4  }
0x75: {  	s13 =	sadd.s32 $0xB60, s29;
	[sflag:s22] =	ssyncadd.s32 $0xFFFFE940  }
0x76: {  	[hbm4b:s13+s3] =	stream.linear.scatter [tilespmem:s17], [sflag:$0x3], $0x5B00, $0x38;
	[tilespmem:$0xEA00] =	vst v63  }
0x77: {  	s31 =	smov.u32 s0;
	_ =	swait.ge [sflag:s9], $0x5B00  }
0x78: {  	s30 =	sshra.s32 s1, $0x2;
	s29 =	sadd.s32 $0x16C0, s29;
	[sflag:s9] =	ssyncset.done $0x0  }
0x79: {  	s0 =	sadd.s32 $0x1A0, s30;
	[sflag:s9] =	ssyncadd.s32 $0xFFFFA500  }
0x7a: {  	[tilespmem:s17], [sflag:$0x2] =	stream.indirect.gather [hbm4b:s2+s10], $0x38, s0, s10, $0xb8;
	[tilespmem:$0xEA00] =	vst v63  }
0x7b: {  	s31 =	sadd.s32 $0x208, s30  }
0x7c: {  	[tilespmem:s18], [sflag:$0x2] =	stream.indirect.gather [hbm4b:s2+s10], $0x38, s31, s10, $0xb8;
	[tilespmem:$0xEA00] =	vst v63  }
0x7d: {  	s1 =	sadd.s32 $0x270, s30  }
0x7e: {  	[tilespmem:s19], [sflag:$0x2] =	stream.indirect.gather [hbm4b:s2+s10], $0x38, s1, s10, $0xb8;
	[tilespmem:$0xEA00] =	vst v63  }
0x7f: {  	s13 =	sadd.s32 $0x2D8, s30  }
0x80: {  	[tilespmem:s20], [sflag:$0x2] =	stream.indirect.gather [hbm4b:s2+s10], $0x38, s13, s10, $0xb8;
	[tilespmem:$0xEA00] =	vst v63  }
0x81: {  	_ =	swait.ge [sflag:s21], $0x16C0  }
0x82: {  	[sflag:s21] =	ssyncset.done $0x0  }
0x83: {  	[sflag:s21] =	ssyncadd.s32 $0xFFFFE940  }
0x84: {  	_ =	swait.ge [sflag:s21], $0x16C0  }
0x85: {  	[sflag:s21] =	ssyncset.done $0x0  }
0x86: {  	[sflag:s21] =	ssyncadd.s32 $0xFFFFE940  }
0x87: {  	_ =	swait.ge [sflag:s21], $0x16C0  }
0x88: {  	[sflag:s21] =	ssyncset.done $0x0  }
0x89: {  	[sflag:s21] =	ssyncadd.s32 $0xFFFFE940  }
0x8a: {  	_ =	swait.ge [sflag:s21], $0x16C0  }
0x8b: {  	[sflag:s21] =	ssyncset.done $0x0  }
0x8c: {  	[sflag:s21] =	ssyncadd.s32 $0xFFFFE940  }
0x8d: {  	[hbm4b:s29+s3] =	stream.linear.scatter [tilespmem:s11], [sflag:$0x3], $0x5B00, $0x38;
	[tilespmem:$0xEA00] =	vst v63  }
0x8e: {  	_ =	swait.ge [sflag:s9], $0x5B00  }
0x8f: {  	[sflag:s9] =	ssyncset.done $0x0  }
0x90: {  	s31 =	sadd.s32 $0x340, s30;
	[sflag:s9] =	ssyncadd.s32 $0xFFFFA500  }
0x91: {  	[tilespmem:s11], [sflag:$0x1] =	stream.indirect.gather [hbm4b:s2+s10], $0x38, s31, s10, $0xb8;
	[tilespmem:$0xEA00] =	vst v63  }
0x92: {  	s1 =	sadd.s32 $0x3A8, s30  }
0x93: {  	[tilespmem:s12], [sflag:$0x1] =	stream.indirect.gather [hbm4b:s2+s10], $0x38, s1, s10, $0xb8;
	[tilespmem:$0xEA00] =	vst v63  }
0x94: {  	s13 =	sadd.s32 $0x410, s30  }
0x95: {  	[tilespmem:s14], [sflag:$0x1] =	stream.indirect.gather [hbm4b:s2+s10], $0x38, s13, s10, $0xb8;
	[tilespmem:$0xEA00] =	vst v63  }
0x96: {  	s30 =	sadd.s32 $0x478, s30  }
0x97: {  	[tilespmem:s16], [sflag:$0x1] =	stream.indirect.gather [hbm4b:s2+s10], $0x38, s30, s10, $0xb8;
	[tilespmem:$0xEA00] =	vst v63  }
0x98: {  	_ =	swait.ge [sflag:s22], $0x16C0  }
0x99: {  	[sflag:s22] =	ssyncset.done $0x0  }
0x9a: {  	[sflag:s22] =	ssyncadd.s32 $0xFFFFE940  }
0x9b: {  	_ =	swait.ge [sflag:s22], $0x16C0  }
0x9c: {  	[sflag:s22] =	ssyncset.done $0x0  }
0x9d: {  	[sflag:s22] =	ssyncadd.s32 $0xFFFFE940  }
0x9e: {  	_ =	swait.ge [sflag:s22], $0x16C0  }
0x9f: {  	[sflag:s22] =	ssyncset.done $0x0  }
0xa0: {  	[sflag:s22] =	ssyncadd.s32 $0xFFFFE940  }
0xa1: {  	_ =	swait.ge [sflag:s22], $0x16C0  }
0xa2: {  	[sflag:s22] =	ssyncset.done $0x0  }
0xa3: {  	s31 =	sadd.s32 $0xB60, s29;
	[sflag:s22] =	ssyncadd.s32 $0xFFFFE940  }
0xa4: {  	[hbm4b:s31+s3] =	stream.linear.scatter [tilespmem:s17], [sflag:$0x3], $0x5B00, $0x38;
	[tilespmem:$0xEA00] =	vst v63  }
0xa5: {  	_ =	swait.ge [sflag:s9], $0x5B00  }
0xa6: {  	[sflag:s9] =	ssyncset.done $0x0  }
0xa7: {  	[sflag:s9] =	ssyncadd.s32 $0xFFFFA500  }
0xa8: {  	[tilespmem:s17], [sflag:$0x2] =	stream.indirect.gather [hbm4b:s2+s10], $0x38, s23, s10, $0xb8;
	[tilespmem:$0xEA00] =	vst v63  }
0xa9: {  	_ = 	snop  }
0xaa: {  	[tilespmem:s18], [sflag:$0x2] =	stream.indirect.gather [hbm4b:s2+s10], $0x38, s24, s10, $0xb8;
	[tilespmem:$0xEA00] =	vst v63  }
0xab: {  	_ = 	snop  }
0xac: {  	[tilespmem:s19], [sflag:$0x2] =	stream.indirect.gather [hbm4b:s2+s10], $0x38, s25, s10, $0xb8;
	[tilespmem:$0xEA00] =	vst v63  }
0xad: {  	_ = 	snop  }
0xae: {  	[tilespmem:s20], [sflag:$0x2] =	stream.indirect.gather [hbm4b:s2+s10], $0x38, s26, s10, $0xb8;
	[tilespmem:$0xEA00] =	vst v63  }
0xaf: {  	_ =	swait.ge [sflag:s21], $0x16C0  }
0xb0: {  	[sflag:s21] =	ssyncset.done $0x0  }
0xb1: {  	[sflag:s21] =	ssyncadd.s32 $0xFFFFE940  }
0xb2: {  	_ =	swait.ge [sflag:s21], $0x16C0  }
0xb3: {  	[sflag:s21] =	ssyncset.done $0x0  }
0xb4: {  	[sflag:s21] =	ssyncadd.s32 $0xFFFFE940  }
0xb5: {  	_ =	swait.ge [sflag:s21], $0x16C0  }
0xb6: {  	[sflag:s21] =	ssyncset.done $0x0  }
0xb7: {  	[sflag:s21] =	ssyncadd.s32 $0xFFFFE940  }
0xb8: {  	_ =	swait.ge [sflag:s21], $0x16C0  }
0xb9: {  	[sflag:s21] =	ssyncset.done $0x0  }
0xba: {  	[sflag:s21] =	ssyncadd.s32 $0xFFFFE940  }
0xbb: {  	[hbm4b:s6+s3] =	stream.linear.scatter [tilespmem:s11], [sflag:$0x3], $0x5B00, $0x38;
	[tilespmem:$0xEA00] =	vst v63  }
0xbc: {  	_ =	swait.ge [sflag:s9], $0x5B00  }
0xbd: {  	[sflag:s9] =	ssyncset.done $0x0  }
0xbe: {  	[sflag:s9] =	ssyncadd.s32 $0xFFFFA500  }
0xbf: {  	_ =	swait.ge [sflag:s22], $0x16C0  }
0xc0: {  	[sflag:s22] =	ssyncset.done $0x0  }
0xc1: {  	[sflag:s22] =	ssyncadd.s32 $0xFFFFE940  }
0xc2: {  	_ =	swait.ge [sflag:s22], $0x16C0  }
0xc3: {  	[sflag:s22] =	ssyncset.done $0x0  }
0xc4: {  	[sflag:s22] =	ssyncadd.s32 $0xFFFFE940  }
0xc5: {  	_ =	swait.ge [sflag:s22], $0x16C0  }
0xc6: {  	[sflag:s22] =	ssyncset.done $0x0  }
0xc7: {  	[sflag:s22] =	ssyncadd.s32 $0xFFFFE940  }
0xc8: {  	s28 =	sadd.s32 $0x1, s28;
	_ =	swait.ge [sflag:s22], $0x16C0  }
0xc9: {  	p0 =	sne.s32 s28, s5;
	[sflag:s22] =	ssyncset.done $0x0  }
.Ltmp1:
0xca: {  	[sflag:s22] =	ssyncadd.s32 $0xFFFFE940;
	(pc) =	sbr.rel @p0 .LBB2_1-.Ltmp1, $4  }
0xcb: {  	[hbm4b:s7+s3] =	stream.linear.scatter [tilespmem:s17], [sflag:$0x3], $0x5B00, $0x38;
	[tilespmem:$0xEA00] =	vst v63  }
0xcc: {  	_ =	swait.ge [sflag:s9], $0x5B00  }
0xcd: {  	[sflag:s9] =	ssyncset.done $0x0  }
0xce: {  	[sflag:s9] =	ssyncadd.s32 $0xFFFFA500  }
0xcf: {  	_ =	sfence.sel $0x180000  }
0xd0: {  	[bflag:$0x0] =	sbarrier.arrive $0xFFFF  }
0xd1: {  	_ =	strace $0x90000047  }
0xd2: {  	s0 =	stileid.u32;
	[bflag:$0x2] =	sbarrier.arrive $0xFFFF  }
0xd3: {  	p0 =	sne.s32 s0, $0x0;
	s0 =	rddreg [dreg:$0x2]  }
0xd4: {  	s0 =	sadd.s32 @!p0 $0x100000, s0  }
0xd5: {  	[sflag:s0] =	ssyncadd.tile.s32 @!p0 $0x1;
	_ =	shalt  }
.Lfunc_end2:
_tile_overlayer_lowered:
.L_overlay_start_2:
0xd6: {  	(tag) =	ssettag $0x2  }
0xd7: {  	s0 =	rddreg [dreg:$0x0];
	s2 =	stileid.u32  }
0xd8: {  	s1 =	rddreg [dreg:$0x1];
	p0 =	sne.s32 s2, $0x0  }
0xd9: {  	s3 =	rddreg [dreg:$0x2];
	[bflag:$0x3] =	sbarrier.arrive $0xFFFF;
	s2 =	simm.s32 @!p0 $0x1C03  }
0xda: {  	[timem:s3], [sflag:s2] =	dma.local @!p0 [hbm:s0], s1  }
0xdb: {  	s0 =	simm.s32 @!p0 $0x3  }
0xdc: {  	_ =	swait.ge @!p0 [sflag:s0], s1  }
0xdd: {  	s1 =	ssub.s32 @!p0 $0x0, s1;
	[sflag:s0] =	ssyncset.done @!p0 $0x0  }
0xde: {  	[sflag:s0] =	ssyncadd.s32 @!p0 s1  }
0xdf: {  	[bflag:$0x3] =	sbarrier.arrive $0xFFFF  }
0xe0: {  	_ =	shalt  }

// kernel: sparse-core-data-format-call.cloned.1.call-start
scs
called_computation_lowered:
.L_overlay_start_0:
0x0: {  	s1 =	sld [smem:$0x3FD9]  }
0x1: {  	s2 =	sld [smem:$0x3FFE];
	_ =	sdelay $0x1  }
0x2: {  	s3 =	srdreg.scid  }
0x3: {  	s0 =	sand.u32 $0x1, s3  }
0x4: {  	s17 =	sshll.u32 s0, $0xA;
	s1 =	sadd.s32 s2, s1  }
0x5: {  	s1 =	sadd.s32 s1, s17  }
0x6: {  	[smem:$0x3FC6] =	sst s1  }
0x7: {  	_ = 	snop  }
0x8: {  	(tm) =	ssettm $0x1  }
0x9: {  	s18 =	sld [smem:$0x3FFB];
	_ =	sdelay $0x3  }
0xa: {  	_ =	strace s18  }
0xb: {  	s1 =	sld [smem:$0x3FFC];
	_ =	sdelay $0x3  }
0xc: {  	_ =	strace s1  }
0xd: {  	s1 =	sld [smem:$0x3FFD];
	_ =	sdelay $0x3  }
0xe: {  	_ =	strace s1  }
0xf: {  	_ =	strace $0x8FFFFFFF  }
0x10: {  	s19 =	sld [smem:$0x3FDB];
	_ =	sdelay $0x1  }
0x11: {  	s20 =	simm.s32 $_scs_section_size  }
0x12: {  	s4 =	simm.s32 $_size__tile_overlayer_lowered;
	s5 =	simm.s32 $_tile_overlayer_lowered  }
0x13: {  	s23 =	simm.s32 $0x1BFF;
	s22 =	sshll.u32 s5, $0x1;
	s1 =	sadd.s32 s20, s19  }
0x14: {  	s6 =	simm.s32 $0x0;
	s21 =	sshll.u32 s4, $0x1;
	s4 =	sadd.s32 s22, s1  }
0x15: {  	[timem:s6], [sflag:s23] =	dma.local [hbm:s4], s21  }
0x16: {  	_ =	swait.ge [sflag:s23], s21  }
0x17: {  	s2 =	ssub.s32 $0x0, s21;
	[sflag:s23] =	ssyncset.done $0x0  }
0x18: {  	[sflag:s23] =	ssyncadd.s32 s2;
	_ =	sdelay $0x1  }
0x19: {  	s24 =	simm.s32 $0x1B8B  }
0x1a: {  	_ =	swait.ge [sflag:s24], $0x1  }
0x1b: {  	[sflag:s24] =	ssyncset.done $0x0  }
0x1c: {  	s26 =	simm.s32 $0x1B8E;
	s25 =	sld [smem:$0x3FFE];
	[sflag:s24] =	ssyncadd.s32 $0xFFFFFFFF  }
0x1d: {  	s27 =	simm.s32 $execute0_lowered;
	[smem:$0x3FD2] =	sst s26  }
0x1e: {  	s4 =	sshll.u32 s27, $0x1;
	_ =	strace $0x80000049;
	[dreg:$0x1] =	wrdreg $0xFFFFFFFF  }
0x1f: {  	s28 =	simm.s32 $_size_execute0_lowered;
	s1 =	sadd.s32 s1, s4;
	[dreg:$0x0] =	wrdreg $0x0  }
0x20: {  	s4 =	sshll.u32 s28, $0x1;
	[dreg:$0x2] =	wrdreg s1  }
0x21: {  	[dreg:$0x3] =	wrdreg s4  }
0x22: {  	[dreg:$0x4] =	wrdreg $0xC0  }
0x23: {  	_ =	task [dreg:s6], $0x5FFFF  }
0x24: {  	[dreg:$0x1] =	wrdreg $0xFFFFFFFF  }
0x25: {  	[dreg:$0x0] =	wrdreg $0x60  }
0x26: {  	[dreg:$0x2] =	wrdreg s25  }
0x27: {  	[dreg:$0x3] =	wrdreg $0x9  }
0x28: {  	_ =	task.clear_ibuf [dreg:s6], $0x4FFFF;
	_ =	strace $0x90000049  }
0x29: {  	s29 =	simm.s32 $0x9;
	_ =	strace $0x8000004B  }
0x2a: {  	_ =	swait.ge [sflag:s29], $0x1  }
0x2b: {  	[sflag:s29] =	ssyncadd.s32 $0xFFFFFFFF  }
0x2c: {  	_ =	strace $0x9000004B  }
0x2d: {  	_ =	sfence  }
0x2e: {  	s30 =	sld [smem:$0x0];
	_ =	sdelay $0x2  }
0x2f: {  	s31 =	sshll.u32 s3, $0xD;
	s3 =	sshrl.u32 s3, $0x2  }
0x30: {  	s2 =	sand.u32 $0x4000, s31;
	s1 =	sadd.s32 s3, s30  }
0x31: {  	s0 =	sor.u32 s2, s0;
	s1 =	sshll.u32 s1, $0x11  }
0x32: {  	s0 =	sor.u32 s1, s0  }
0x33: {  	s0 =	sadd.s32 $0x8F2B, s0  }
0x34: {  	[sflag:s0] =	ssyncadd.remote.s32 $0x1  }
0x35: {  	_ =	sfence.sel $0xFFFF  }
0x36: {  	[dreg:$0x0] =	wrdreg $0xFFFFFFFF;
	(pc) =	sbr.abs _section_cstart, $3  }
0x37: {  	[dreg:$0x1] =	wrdreg $0xFFFFFFFF  }
0x38: {  	_ =	task.clear_ibuf [dreg:s6], $0x2FFFF;
	_ =	strace $0x9FFFFFFF  }
0x39: {  	(tm) =	ssettm $0x7FFFFFFF  }
tec
execute0_lowered:
.L_overlay_start_1:
0x0: {  	(tag) =	ssettag $0x1  }
0x1: {  	s0 =	srdreg.scid  }
0x2: {  	s1 =	sshll.u32 s0, $0x4  }
0x3: {  	s0 =	stileid.u32;
	s1 =	sand.u32 $0x10, s1  }
0x4: {  	s6 =	rddreg [dreg:$0x0];
	s4 =	simm.s32 $0x1;
	s1 =	sor.u32 s0, s1  }
0x5: {  	s7 =	simm.s32 $0x2;
	s15 =	simm.s32 $0x0;
	s2 =	sshll.u32 s1, $0x7  }
0x6: {  	s8 =	simm.s32 $0x20000;
	s14 =	simm.s32 $0x0;
	s3 =	ssub.s32 $0x4000, s2  }
0x7: {  	s9 =	simm.s32 $0x0;
	s10 =	simm.s32 $0x0;
	s31 =	sand.u32 $0xF80, s3  }
0x8: {  	s11 =	simm.s32 $0x0;
	s1 =	rddreg [dreg:$0x1];
	p0 =	sne.s32 s31, $0x0  }
.Ltmp0:
0x9: {  	s5 =	sshrl.u32 s3, $0xC;
	s4 =	simm.s32 @!p0 $0x0;
	(pc) =	sbr.rel .LBB1_1-.Ltmp0, $4  }
0xa: {  	_ =	strace $0x8000004A;
	s3 =	simm.s32 $0x1;
	s4 =	sadd.s32 s4, s5  }
0xb: {  	s13 =	simm.s32 $0x0;
	[sflag:s3] =	ssyncpa.u1 $0x0;
	s4 =	smul.u32 $0xC, s4  }
0xc: {  	s12 =	smov.u32 s2;
	[sflag:s7] =	ssyncpa.u1 $0x0;
	p0 =	por $0x0, $0x0  }
0xd: {  	s5 =	sadd.s32 $0x2E5600, s6;
	s6 =	sadd.s32 $0x600, s6;
	s7 =	sor.u32 $0x1, s4  }
.LBB1_4:
0xe: {  	s20 =	sshra.s32 s20, $0x2  }
0xf: {  	s28 =	sand.u32 $0x78, s10;
	s21 =	sshll.u32 s9, $0xE;
	s22 =	sshll.u32 s10, $0x3  }
0x10: {  	s24 =	sshll.u32 s9, $0x7;
	p1 =	sgt.s32 s9, $0x530;
	s30 =	sshra.s32 s9, $0x1F  }
0x11: {  	s26 =	sshra.s32 s10, $0x1F;
	s19 =	sadd.s32 s20, s19;
	s21 =	sand.u32 $0xFFFE0000, s21  }
0x12: {  	v5 =	vld [tilespmem:s17+$0xFFFFFFD0];
	[tilespmem:s18+$0x2040 ss:$0x81] =	vst.msk $0xffff, v4;
	s23 =	sand.u32 $0xFFFFFC00, s22;
	s29 =	sand.u32 $0x380, s24;
	s22 =	sand.u32 $0x3C00, s22  }
0x13: {  	v58 =	vld [tilespmem:s17+$0xFFFFFFE0];
	[tilespmem:s18+$0x2850 ss:$0x81] =	vst.msk $0xffff, v3;
	s21 =	sadd.s32 s23, s21;
	s20 =	sor.u32 s28, s22;
	s22 =	smov.u32 s9  }
0x14: {  	v59 =	vld [tilespmem:s17+$0xFFFFFFF0];
	[tilespmem:s18+$0x3060 ss:$0x81] =	vst.msk $0xffff, v2;
	s24 =	sand.u32 s30, s9;
	s21 =	sshrl.u32 s21, $0xE;
	s22 =	simm.s32 @!p1 $0x530  }
0x15: {  	v60 =	vld [tilespmem:s17+$0x0];
	[tilespmem:s18+$0x0 ss:$0x81] =	vst.msk $0xffff, v1;
	p1 =	sgt.s32 s10, $0x3F80;
	s31 =	ssub.s32 s22, s24;
	s22 =	smov.u32 s10  }
0x16: {  	v61 =	vld [tilespmem:s17+$0x10];
	[tilespmem:s19+$0x3870 ss:$0x81] =	vst.msk $0xffff, v0;
	s25 =	smulhi.u32 $0x2D02D1, s21;
	s24 =	sand.u32 s26, s10;
	s22 =	simm.s32 @!p1 $0x3F80  }
0x17: {  	v62 =	vld [tilespmem:s17+$0x20];
	s20 =	sor.u32 s29, s20;
	[tilespmem:s19+$0x810 ss:$0x81] =	vst.msk $0xffff, v5;
	s27 =	sadd.s32 $0xFFFFFAD0, s31;
	s22 =	ssub.s32 s22, s24  }
0x18: {  	v63 =	vld [tilespmem:s17+$0xFFFFFFC0];
	[tilespmem:s19+$0x1020 ss:$0x81] =	vst.msk $0xffff, v58;
	s18 =	ssub.s32 $0x5B0, s31;
	s28 =	smul.u32 $0x5B0, s25;
	s29 =	sadd.s32 $0xFFFFC080, s22  }
0x19: {  	[tilespmem:s19+$0x1830 ss:$0x81] =	vst.msk $0xffff, v59;
	p1 =	sgt.s32 s27, $0x7F;
	s22 =	ssub.s32 $0x4000, s22;
	p2 =	sgt.s32 s29, $0x7F  }
0x1a: {  	s30 =	sand.u32 $0x7, s10;
	[tilespmem:s19+$0x2040 ss:$0x81] =	vst.msk $0xffff, v60;
	s18 =	simm.s32 @p1 $0x0;
	s22 =	simm.s32 @p2 $0x0  }
0x1b: {  	s20 =	sshrl.u32 s20, $0x3;
	[tilespmem:s19+$0x2850 ss:$0x81] =	vst.msk $0xffff, v61;
	s17 =	ssub.s32 s21, s28;
	s18 =	smul.u32 s22, s18  }
0x1c: {  	[tilespmem:s19+$0x3060 ss:$0x81] =	vst.msk $0xffff, v62;
	s20 =	sadd.s32 s6, s20;
	s21 =	sshll.u32 s30, $0x12;
	s17 =	sshll.u32 s17, $0xB  }
0x1d: {  	[tilespmem:s19+$0x0 ss:$0x81] =	vst.msk $0xffff, v63;
	s31 =	sor.u32 $0x400, s21;
	s17 =	sadd.s32 s17, s20;
	s18 =	sand.u32 $0x3FFFFFFF, s18  }
0x1e: {  	[hbm4b:s17+s31] =	stream.strided.scatter [tilespmem:s16], [sflag:$0x2], s18, s8, s31, $0x20;
	[tilespmem:$0x10100] =	vst v63  }
.LBB1_5:
0x1f: {  	p1 =	slt.u32 s13, $0x2  }
0x20: {  	s17 =	smov.u32 s15;
	p2 =	sgt.s32 @!p1 s15, $0x530;
	s16 =	sshra.s32 @!p1 s15, $0x1F  }
0x21: {  	p3 =	sgt.s32 @!p1 s14, $0x3F80;
	s18 =	sshra.s32 @!p1 s14, $0x1F;
	p2 =	por !p2, p1  }
0x22: {  	s15 =	sand.u32 @!p1 s16, s15;
	p3 =	por !p3, p1;
	s16 =	smov.u32 s14  }
0x23: {  	s14 =	sand.u32 @!p1 s18, s14;
	s17 =	simm.s32 @p2 $0x530;
	s16 =	simm.s32 @p3 $0x3F80  }
0x24: {  	s15 =	ssub.s32 @!p1 s17, s15;
	s14 =	ssub.s32 @!p1 s16, s14  }
0x25: {  	s18 =	smov.u32 s12;
	s16 =	sadd.s32 @!p1 $0xFFFFFAD0, s15;
	s17 =	sadd.s32 @!p1 $0xFFFFC080, s14  }
0x26: {  	s15 =	ssub.s32 @!p1 $0x5B0, s15;
	p2 =	sgt.s32 @!p1 s16, $0x7F;
	p3 =	sgt.s32 @!p1 s17, $0x7F  }
0x27: {  	s14 =	ssub.s32 @!p1 $0x4000, s14;
	p2 =	por !p2, p1;
	p3 =	por !p3, p1  }
0x28: {  	s16 =	sadd.s32 $0x80, s11;
	s15 =	simm.s32 @!p2 $0x0;
	s14 =	simm.s32 @!p3 $0x0  }
0x29: {  	p2 =	sgt.s32 s16, $0x5AF;
	s14 =	smul.u32 @!p1 s14, s15;
	s15 =	sadd.s32 $0x1000, s12  }
0x2a: {  	s18 =	smov.u32 @p2 s15  }
0x2b: {  	s16 =	simm.s32 @p2 $0x0;
	p2 =	sgt.s32 s18, $0x3FFF  }
0x2c: {  	s18 =	smov.u32 @p2 s2;
	p2 =	sne.s32 s13, s7  }
.Ltmp1:
0x2d: {  	p0 =	por !p0, !p0;
	s17 =	simm.s32 @!p1 $0x2;
	(pc) =	sbr.rel @!p2 .LBB1_6-.Ltmp1, $4  }
0x2e: {  	s15 =	smov.u32 s9;
	s9 =	smov.u32 s11;
	s14 =	sand.u32 @!p1 $0x3FFFFFFF, s14  }
0x2f: {  	s11 =	smov.u32 s16;
	_ =	swait.ge @!p1 [sflag:s17], s14;
	s19 =	ssub.s32 @!p1 $0x0, s14  }
0x30: {  	s14 =	smov.u32 s10;
	s13 =	sadd.s32 $0x1, s13;
	[sflag:s17] =	ssyncset.done @!p1 $0x0  }
0x31: {  	s10 =	smov.u32 s12;
	s12 =	smov.u32 s18;
	[sflag:s17] =	ssyncadd.s32 @!p1 s19  }
.LBB1_1:
0x32: {  	p1 =	sge.u32 s13, s4  }
0x33: {  	s16 =	sshrl.u32 @!p1 s12, $0x3  }
0x34: {  	s17 =	sshll.u32 @!p1 s11, $0x3;
	s16 =	smul.u32 @!p1 $0x3000, s16  }
0x35: {  	s18 =	sshll.u32 @!p1 s12, $0x7;
	s17 =	sand.u32 @!p1 $0xFFFFFC00, s17  }
0x36: {  	s16 =	sadd.s32 @!p1 s16, s17;
	s17 =	sand.u32 @!p1 $0x380, s18  }
0x37: {  	s18 =	sand.u32 @!p1 $0x7F, s11;
	s16 =	sor.u32 @!p1 s17, s16  }
0x38: {  	s17 =	sor.u32 @!p1 s18, s16  }
0x39: {  	s18 =	smulhi.u32 @!p1 $0xAAAAAAAB, s17;
	_ =	sdelay $0x1  }
0x3a: {  	s16 =	smulhi.u32 @!p1 $0xAAAAAAAB, s16;
	s18 =	sshrl.u32 @!p1 s18, $0xA  }
0x3b: {  	s18 =	smul.u32 @!p1 $0x600, s18  }
0x3c: {  	s31 =	sadd.s32 $0xFFFFFFFF, s13;
	s19 =	sxor.u32 @!p1 $0xFFFFFFFF, s13;
	s16 =	sshrl.u32 @!p1 s16, $0xA  }
0x3d: {  	s19 =	sshll.u32 @!p1 s19, $0xE;
	s16 =	sand.u32 @!p1 $0x3FFF, s16;
	s17 =	ssub.s32 @!p1 s17, s18  }
0x3e: {  	s16 =	smul.u32 @!p1 $0xC0, s16;
	s18 =	sshrl.u32 @!p1 s17, $0x3;
	s17 =	sand.u32 @!p1 $0x7, s17  }
0x3f: {  	s19 =	sand.u32 @!p1 $0x4000, s19;
	s18 =	sadd.s32 @!p1 s5, s18;
	s17 =	sshll.u32 @!p1 s17, $0x12  }
0x40: {  	s16 =	sadd.s32 @!p1 s16, s18;
	s17 =	sor.u32 @!p1 $0x400, s17;
	s18 =	simm.s32 @!p1 $0x3000  }
0x41: {  	[tilespmem:s19], [sflag:$0x1] =	stream.strided.gather @!p1 [hbm4b:s16+s17], $0x4000, s18, s17, $0x38;
	[tilespmem:$0x10100] =	vst v63  }
0x42: {  	p1 =	sge.u32 s31, s4  }
.Ltmp2:
0x43: {  	_ = 	snop;
	(pc) =	sbr.rel @p1 .LBB1_5-.Ltmp2, $1  }
0x44: {  	_ =	sdelay $0x3  }
0x45: {  	s16 =	simm.s32 $0x1  }
0x46: {  	_ =	swait.ge [sflag:s3], $0x4000;
	s16 =	simm.s32 @!p0 $0x0  }
0x47: {  	[sflag:s3] =	ssyncset.done $0x0;
	s17 =	sshll.u32 s16, $0xE  }
0x48: {  	[sflag:s3] =	ssyncadd.s32 $0xFFFFC000;
	s17 =	sor.u32 $0x40, s17  }
0x49: {  	s16 =	smul.u32 $0x10200, s16;
	v0 =	vld [tilespmem:s17+$0x30]  }
0x4a: {  	v1 =	vld [tilespmem:s17+$0xFFFFFFD0]  }
0x4b: {  	s16 =	sshrl.u32 s16, $0x2;
	v5 =	vld [tilespmem:s17+$0xFFFFFFE0]  }
0x4c: {  	v6 =	vld [tilespmem:s17+$0xFFFFFFF0];
	s19 =	sor.u32 $0x8000, s16  }
0x4d: {  	s31 =	sand.u32 $0x1, s13;
	v4 =	vld [tilespmem:s17+$0x0];
	s18 =	sadd.s32 $0x0, s19  }
0x4e: {  	v3 =	vld [tilespmem:s17+$0x10];
	s16 =	smul.u32 $0x10200, s31;
	[tilespmem:s18+$0x3870 ss:$0x81] =	vst.msk $0xffff, v0  }
0x4f: {  	v2 =	vld [tilespmem:s17+$0x20];
	[tilespmem:s18+$0x810 ss:$0x81] =	vst.msk $0xffff, v1  }
0x50: {  	s16 =	sshrl.u32 s16, $0x2;
	v1 =	vld [tilespmem:s17+$0xFFFFFFC0];
	[tilespmem:s18+$0x1020 ss:$0x81] =	vst.msk $0xffff, v5;
	s17 =	sadd.s32 $0x80, s17  }
0x51: {  	s20 =	simm.s32 $0x4;
	s21 =	simm.s32 $0x8;
	s16 =	sor.u32 $0x8000, s16;
	[tilespmem:s18+$0x1830 ss:$0x81] =	vst.msk $0xffff, v6;
	v0 =	vld [tilespmem:s17+$0x30]  }
.LBB1_3:
0x52: {  	p1 =	sne.s32 s21, $0x1FC;
	v5 =	vld [tilespmem:s17+$0xFFFFFFD0];
	[tilespmem:s18+$0x2040 ss:$0x81] =	vst.msk $0xffff, v4  }
0x53: {  	v6 =	vld [tilespmem:s17+$0xFFFFFFE0];
	[tilespmem:s18+$0x2850 ss:$0x81] =	vst.msk $0xffff, v3  }
0x54: {  	s22 =	sshra.s32 s20, $0x2;
	s20 =	smov.u32 s21;
	v7 =	vld [tilespmem:s17+$0xFFFFFFF0];
	[tilespmem:s18+$0x3060 ss:$0x81] =	vst.msk $0xffff, v2  }
.Ltmp3:
0x55: {  	v4 =	vld [tilespmem:s17+$0x0];
	[tilespmem:s18+$0x0 ss:$0x81] =	vst.msk $0xffff, v1;
	s18 =	sadd.s32 s22, s19;
	(pc) =	sbr.rel @p1 .LBB1_3-.Ltmp3, $4  }
0x56: {  	v3 =	vld [tilespmem:s17+$0x10];
	[tilespmem:s18+$0x3870 ss:$0x81] =	vst.msk $0xffff, v0  }
0x57: {  	[tilespmem:s18+$0x810 ss:$0x81] =	vst.msk $0xffff, v5;
	v2 =	vld [tilespmem:s17+$0x20]  }
0x58: {  	v1 =	vld [tilespmem:s17+$0xFFFFFFC0];
	[tilespmem:s18+$0x1020 ss:$0x81] =	vst.msk $0xffff, v6;
	s17 =	sadd.s32 $0x80, s17  }
0x59: {  	s21 =	sadd.s32 $0x4, s21;
	v0 =	vld [tilespmem:s17+$0x30];
	[tilespmem:s18+$0x1830 ss:$0x81] =	vst.msk $0xffff, v7  }
.Ltmp4:
0x5a: {  	_ = 	snop;
	(pc) =	sbr.rel .LBB1_4-.Ltmp4, $1  }
0x5b: {  	_ =	sdelay $0x3  }
.LBB1_6:
0x5c: {  	_ =	sfence.sel $0x180000  }
0x5d: {  	s2 =	simm.s32 $0x1;
	[bflag:$0x0] =	sbarrier.arrive $0xFFFF  }
0x5e: {  	s31 =	simm.s32 $0x2;
	[sflag:s2] =	ssyncpa.u1 $0x1  }
0x5f: {  	[sflag:s31] =	ssyncpa.u1 $0x1  }
0x60: {  	p0 =	sne.s32 s0, $0x0;
	_ =	strace $0x9000004A  }
0x61: {  	s0 =	sadd.s32 @!p0 $0x100000, s1;
	[bflag:$0x2] =	sbarrier.arrive $0xFFFF  }
0x62: {  	[sflag:s0] =	ssyncadd.tile.s32 @!p0 $0x1;
	_ =	shalt  }
.Lfunc_end1:
_tile_overlayer_lowered:
.L_overlay_start_2:
0x63: {  	(tag) =	ssettag $0x2  }
0x64: {  	s0 =	rddreg [dreg:$0x0];
	s2 =	stileid.u32  }
0x65: {  	s1 =	rddreg [dreg:$0x1];
	p0 =	sne.s32 s2, $0x0  }
0x66: {  	s3 =	rddreg [dreg:$0x2];
	[bflag:$0x3] =	sbarrier.arrive $0xFFFF;
	s2 =	simm.s32 @!p0 $0x1C01  }
0x67: {  	[timem:s3], [sflag:s2] =	dma.local @!p0 [hbm:s0], s1  }
0x68: {  	s0 =	simm.s32 @!p0 $0x1  }
0x69: {  	_ =	swait.ge @!p0 [sflag:s0], s1  }
0x6a: {  	s1 =	ssub.s32 @!p0 $0x0, s1;
	[sflag:s0] =	ssyncset.done @!p0 $0x0  }
0x6b: {  	[sflag:s0] =	ssyncadd.s32 @!p0 s1  }
0x6c: {  	[bflag:$0x3] =	sbarrier.arrive $0xFFFF  }
0x6d: {  	_ =	shalt  }

</sc_bundles>
